<compile_context>
chip_gen: v7x
topology: tpu7x:2x2x1
jax: 0.10.2.dev20260603
libtpu: 0.0.44.dev20260713+nightly
codegen_flags: <defaults>
</compile_context>

<pallas_src>
import functools

import jax
import jax.numpy as jnp
from jax import lax
from jax.experimental import pallas as pl
from jax.experimental.pallas import tpu as pltpu
from jax.experimental.pallas import tpu_sc as plsc

N = 10000
E = 320000
F = 128
NC = 2
NS = 16
NW = NC * NS
CH = 128
KC = 80
EPT = CH * KC
EPAD = NW * EPT
NPAD = 10240
NP2 = 2 * NPAD
RPN = NPAD // NS
L = 16

_mesh = plsc.VectorSubcoreMesh(core_axis_name="c", subcore_axis_name="s",
                               num_cores=NC, num_subcores=NS)
_sc_params = pltpu.CompilerParams(use_tc_tiling_on_sc=False)


def _fill(ref, n, value):
    vec = jnp.full((L,), value, jnp.float32)
    for k in range(n // L):
        ref[pl.ds(k * L, L)] = vec


@functools.partial(
    pl.kernel,
    out_type=jax.ShapeDtypeStruct((NC * NP2,), jnp.float32),
    mesh=_mesh,
    compiler_params=_sc_params,
    scratch_types=[
        pltpu.VMEM((KC, CH), jnp.int32),
        pltpu.VMEM((KC, CH), jnp.int32),
        pltpu.VMEM((CH,), jnp.float32),
        pltpu.VMEM((RPN,), jnp.float32),
        pltpu.SemaphoreType.DMA,
        pltpu.VMEM_SHARED((NPAD,), jnp.float32),
        pltpu.VMEM_SHARED((NPAD,), jnp.float32),
    ],
)
def _deg_kernel(src0_hbm, dst0_hbm, degp_hbm,
                idx_s, idx_d, ones_v, zero_v, ssem, dsh_out, dsh_in):
    c = lax.axis_index("c")
    s = lax.axis_index("s")
    wid = c * NS + s
    _fill(ones_v, CH, 1.0)
    _fill(zero_v, RPN, 0.0)
    pltpu.sync_copy(zero_v, dsh_out.at[pl.ds(s * RPN, RPN)])
    pltpu.sync_copy(zero_v, dsh_in.at[pl.ds(s * RPN, RPN)])
    pltpu.sync_copy(src0_hbm.at[wid], idx_s)
    pltpu.sync_copy(dst0_hbm.at[wid], idx_d)
    plsc.subcore_barrier()

    def fire(j, carry):
        pltpu.async_copy(ones_v, dsh_out.at[idx_s.at[j]], ssem, add=True)
        pltpu.async_copy(ones_v, dsh_in.at[idx_d.at[j]], ssem, add=True)
        return carry

    lax.fori_loop(0, KC, fire, 0)

    def drain(j, carry):
        pltpu.make_async_copy(ones_v, dsh_out.at[idx_s.at[j]], ssem).wait()
        pltpu.make_async_copy(ones_v, dsh_in.at[idx_d.at[j]], ssem).wait()
        return carry

    lax.fori_loop(0, KC, drain, 0)
    plsc.subcore_barrier()
    pltpu.sync_copy(dsh_out.at[pl.ds(s * RPN, RPN)],
                    degp_hbm.at[pl.ds(c * NP2 + s * RPN, RPN)])
    pltpu.sync_copy(dsh_in.at[pl.ds(s * RPN, RPN)],
                    degp_hbm.at[pl.ds(c * NP2 + NPAD + s * RPN, RPN)])


@functools.partial(
    pl.kernel,
    out_type=jax.ShapeDtypeStruct((NC * NP2,), jnp.float32),
    mesh=_mesh,
    compiler_params=_sc_params,
    scratch_types=[
        pltpu.VMEM((KC, CH), jnp.int32),
        pltpu.VMEM((KC, CH), jnp.int32),
        pltpu.VMEM((KC, CH), jnp.float32),
        pltpu.VMEM((KC, CH), jnp.float32),
        pltpu.VMEM((RPN,), jnp.float32),
        pltpu.SemaphoreType.DMA,
        pltpu.SemaphoreType.DMA,
        pltpu.VMEM_SHARED((NPAD,), jnp.float32),
        pltpu.VMEM_SHARED((NPAD,), jnp.float32),
        pltpu.VMEM_SHARED((NPAD,), jnp.float32),
        pltpu.VMEM_SHARED((NPAD,), jnp.float32),
    ],
)
def _agg_kernel(src0_hbm, dst0_hbm, v_hbm, aggp_hbm,
                idx_s, idx_d, msg0, msg1, zero_v, gsem, ssem,
                ash0, ash1, vsh0, vsh1):
    c = lax.axis_index("c")
    s = lax.axis_index("s")
    wid = c * NS + s
    _fill(zero_v, RPN, 0.0)
    pltpu.sync_copy(zero_v, ash0.at[pl.ds(s * RPN, RPN)])
    pltpu.sync_copy(zero_v, ash1.at[pl.ds(s * RPN, RPN)])
    pltpu.sync_copy(v_hbm.at[pl.ds(s * RPN, RPN)],
                    vsh0.at[pl.ds(s * RPN, RPN)])
    pltpu.sync_copy(v_hbm.at[pl.ds(NPAD + s * RPN, RPN)],
                    vsh1.at[pl.ds(s * RPN, RPN)])
    pltpu.sync_copy(src0_hbm.at[wid], idx_s)
    pltpu.sync_copy(dst0_hbm.at[wid], idx_d)
    plsc.subcore_barrier()

    def gfire(j, carry):
        pltpu.async_copy(vsh0.at[idx_s.at[j]], msg0.at[j], gsem)
        pltpu.async_copy(vsh1.at[idx_s.at[j]], msg1.at[j], gsem)
        return carry

    lax.fori_loop(0, KC, gfire, 0)

    def pipe(j, carry):
        pltpu.make_async_copy(vsh0.at[idx_s.at[j]], msg0.at[j], gsem).wait()
        pltpu.make_async_copy(vsh1.at[idx_s.at[j]], msg1.at[j], gsem).wait()
        pltpu.async_copy(msg0.at[j], ash0.at[idx_d.at[j]], ssem, add=True)
        pltpu.async_copy(msg1.at[j], ash1.at[idx_d.at[j]], ssem, add=True)
        return carry

    lax.fori_loop(0, KC, pipe, 0)

    def sdrain(j, carry):
        pltpu.make_async_copy(msg0.at[j], ash0.at[idx_d.at[j]], ssem).wait()
        pltpu.make_async_copy(msg1.at[j], ash1.at[idx_d.at[j]], ssem).wait()
        return carry

    lax.fori_loop(0, KC, sdrain, 0)
    plsc.subcore_barrier()
    pltpu.sync_copy(ash0.at[pl.ds(s * RPN, RPN)],
                    aggp_hbm.at[pl.ds(c * NP2 + s * RPN, RPN)])
    pltpu.sync_copy(ash1.at[pl.ds(s * RPN, RPN)],
                    aggp_hbm.at[pl.ds(c * NP2 + NPAD + s * RPN, RPN)])


def _mm_body(x_ref, we_ref, fw_ref, wg_ref, cw_ref, u_ref):
    wc1 = jnp.dot(we_ref[...], fw_ref[...], preferred_element_type=jnp.float32)
    wc2 = jnp.dot(wg_ref[...], cw_ref[...], preferred_element_type=jnp.float32)
    u1 = jnp.dot(x_ref[...], wc1, preferred_element_type=jnp.float32)
    u2 = jnp.dot(x_ref[...], wc2, preferred_element_type=jnp.float32)
    pad = jnp.zeros((1, NPAD - N), jnp.float32)
    u_ref[...] = jnp.concatenate(
        [jnp.transpose(u1), pad, jnp.transpose(u2), pad], axis=1)


def _scale_body(u_ref, deg4_ref, v_ref):
    dout = deg4_ref[0:1, :] + deg4_ref[2:3, :]
    ns = jnp.where(dout > 0, lax.rsqrt(jnp.maximum(dout, 1.0)), 0.0)
    v_ref[...] = u_ref[...] * jnp.concatenate([ns, ns], axis=1)


def _fin_body(agg4_ref, deg4_ref, be_ref, fw_ref, fb_ref, bg_ref, cw_ref,
              cb_ref, s_ref, y_ref):
    din = deg4_ref[1:2, :] + deg4_ref[3:4, :]
    nd = jnp.where(din > 0, lax.rsqrt(jnp.maximum(din, 1.0)), 0.0)
    agg0 = agg4_ref[0:1, :] + agg4_ref[2:3, :]
    agg1 = agg4_ref[1:2, :] + agg4_ref[3:4, :]
    c1 = jnp.sum(be_ref[...] * fw_ref[...]) + fb_ref[0, 0]
    c2 = jnp.sum(bg_ref[...] * cw_ref[...]) + cb_ref[0, 0]
    s_ref[...] = agg0 * nd + c1
    y_ref[...] = agg1 * nd + c2


_mm_call = pl.pallas_call(
    _mm_body,
    out_shape=jax.ShapeDtypeStruct((1, NP2), jnp.float32),
)

_scale_call = pl.pallas_call(
    _scale_body,
    out_shape=jax.ShapeDtypeStruct((1, NP2), jnp.float32),
)

_fin_call = pl.pallas_call(
    _fin_body,
    out_shape=[
        jax.ShapeDtypeStruct((1, NPAD), jnp.float32),
        jax.ShapeDtypeStruct((1, NPAD), jnp.float32),
    ],
)


def kernel(x, edge_index, W_est, b_est, fc_w, fc_b, W_gnn, b_gnn, cls_w, cls_b):
    src = edge_index[0]
    dst = edge_index[1]
    ppw = EPT - E // NW
    pad_blk = jnp.broadcast_to(
        N + (jnp.arange(ppw, dtype=jnp.int32) % (NPAD - N)), (NW, ppw))
    src0 = jnp.concatenate([src.reshape(NW, E // NW), pad_blk],
                           axis=1).reshape(NW, KC, CH)
    dst0 = jnp.concatenate([dst.reshape(NW, E // NW), pad_blk],
                           axis=1).reshape(NW, KC, CH)

    degp = _deg_kernel(src0, dst0)
    deg4 = degp.reshape(NC * 2, NPAD)
    u01 = _mm_call(x, W_est, fc_w, W_gnn, cls_w)
    v01 = _scale_call(u01, deg4)
    aggp = _agg_kernel(src0, dst0, v01.reshape(NP2))
    agg4 = aggp.reshape(NC * 2, NPAD)
    s_row, y_row = _fin_call(
        agg4, deg4,
        b_est.reshape(1, F), fc_w.reshape(1, F), fc_b.reshape(1, 1),
        b_gnn.reshape(1, F), cls_w.reshape(1, F), cls_b.reshape(1, 1),
    )
    return (y_row.reshape(NPAD, 1)[:N], s_row.reshape(NPAD, 1)[:N])

# --- scband reference (transcript-rebuilt; emitter-appended) ---
"""Pipeline reference for scband-fair-gnn-8375186227370 (READ-ONLY COPY).

The authoritative reference and input builder live on the scoring server;
editing this copy changes nothing except your own understanding.
"""

import jax, jax.numpy as jnp
import numpy as np

N = 10000
E = 320000
NFEAT = 128
NHID = 128


def _glorot(key, shape):
    lim = float(np.sqrt(6.0 / (shape[0] + shape[1])))
    return jax.random.uniform(key, shape, jnp.float32, -lim, lim)


def setup_inputs(seed: int = 0) -> dict:
    key = jax.random.key(seed)
    ks = jax.random.split(key, 10)
    x = jax.random.normal(ks[0], (N, NFEAT), dtype=jnp.float32)
    edge_index = jax.random.randint(ks[1], (2, E), 0, N, dtype=jnp.int32)
    # estimator = GCN(nfeat, nhid, nclass=1): GraphConv(nfeat,nhid) body + Linear(nhid,1) fc
    W_est = _glorot(ks[2], (NFEAT, NHID))
    b_est = jnp.zeros((NHID,), jnp.float32)
    lim = float(1.0 / np.sqrt(NHID))
    fc_w = jax.random.uniform(ks[3], (NHID, 1), jnp.float32, -lim, lim)
    fc_b = jnp.zeros((1,), jnp.float32)
    # GNN = GCN_Body(nfeat, nhid): single GraphConv(nfeat, nhid)
    W_gnn = _glorot(ks[4], (NFEAT, NHID))
    b_gnn = jnp.zeros((NHID,), jnp.float32)
    # classifier = Linear(nhid, 1)
    cls_w = jax.random.uniform(ks[5], (NHID, 1), jnp.float32, -lim, lim)
    cls_b = jnp.zeros((1,), jnp.float32)
    return {"x": x, "edge_index": edge_index, "W_est": W_est, "b_est": b_est,
            "fc_w": fc_w, "fc_b": fc_b, "W_gnn": W_gnn, "b_gnn": b_gnn,
            "cls_w": cls_w, "cls_b": cls_b}


def _graph_conv(x, src, dst, W, b, n):
    # DGL GraphConv with norm='both': out = D_in^{-1/2} A (D_out^{-1/2} X W) + b
    ones = jnp.ones((src.shape[0],), jnp.float32)
    deg_out = jnp.zeros((n,), jnp.float32).at[src].add(ones)
    deg_in = jnp.zeros((n,), jnp.float32).at[dst].add(ones)
    norm_src = jnp.where(deg_out > 0, jax.lax.rsqrt(jnp.maximum(deg_out, 1.0)), 0.0)
    norm_dst = jnp.where(deg_in > 0, jax.lax.rsqrt(jnp.maximum(deg_in, 1.0)), 0.0)
    xw = x @ W
    msg = jnp.take(xw, src, axis=0) * norm_src[src][:, None]
    agg = jnp.zeros((n, xw.shape[1]), xw.dtype).at[dst].add(msg)
    return agg * norm_dst[:, None] + b


def reference(x, edge_index, W_est, b_est, fc_w, fc_b, W_gnn, b_gnn, cls_w, cls_b):
    src = edge_index[0]
    dst = edge_index[1]
    n = x.shape[0]
    # s = estimator(g, x): GraphConv body (no nonlinearity in GCN_Body) then fc
    h_est = _graph_conv(x, src, dst, W_est, b_est, n)
    s = h_est @ fc_w + fc_b
    # z = GNN(g, x)
    z = _graph_conv(x, src, dst, W_gnn, b_gnn, n)
    # y = classifier(z)
    y = z @ cls_w + cls_b
    return (y, s)

if __name__ == "__main__":
    import jax
    _d = setup_inputs()
    print(jax.jit(kernel)(*tuple(_d.values())))

</pallas_src>

<mosaic_0001>
#map = affine_map<(d0, d1) -> (0, 0, 0)>
#map1 = affine_map<(d0, d1) -> (0)>
module attributes {stable_mosaic.version = 14 : i64} {
  func.func @_agg_kernel(%arg0: i32, %arg1: i32, %arg2: memref<32x80x128xi32, #tpu.memory_space<hbm>>, %arg3: memref<32x80x128xi32, #tpu.memory_space<hbm>>, %arg4: memref<20480xf32, #tpu.memory_space<hbm>>, %arg5: memref<40960xf32, #tpu.memory_space<hbm>>, %arg6: memref<80x128xi32, #tpu.memory_space<vmem>>, %arg7: memref<80x128xi32, #tpu.memory_space<vmem>>, %arg8: memref<80x128xf32, #tpu.memory_space<vmem>>, %arg9: memref<80x128xf32, #tpu.memory_space<vmem>>, %arg10: memref<640xf32, #tpu.memory_space<vmem>>, %arg11: memref<!tpu.dma_semaphore, #tpu.memory_space<semaphore_mem>>, %arg12: memref<!tpu.dma_semaphore, #tpu.memory_space<semaphore_mem>>, %arg13: memref<10240xf32, #tpu.memory_space<vmem_shared>>, %arg14: memref<10240xf32, #tpu.memory_space<vmem_shared>>, %arg15: memref<10240xf32, #tpu.memory_space<vmem_shared>>, %arg16: memref<10240xf32, #tpu.memory_space<vmem_shared>>) attributes {dimension_semantics = [#tpu.dimension_semantics<core_parallel>, #tpu.dimension_semantics<subcore_parallel>], iteration_bounds = array<i64: 2, 16>, scalar_prefetch = 0 : i64, scratch_operands = 11 : i64, tpu.core_type = #tpu.core_type<sc_vector_subcore>, window_params = [{transform_indices = #map}, {transform_indices = #map}, {transform_indices = #map1}, {transform_indices = #map1}]} {
    %mul3A = arith.constant 16 : i32
    %mul3A_0 = arith.muli %arg0, %mul3A : i32
    %add3A = arith.addi %mul3A_0, %arg1 : i32
    %broadcast_in_dim3A = arith.constant 0.000000e+00 : f32
    %broadcast_in_dim3A_1 = vector.broadcast %broadcast_in_dim3A : f32 to vector<16xf32>
    %swap3A = arith.constant 0 : index
    %swap3A_2 = tpu.vector_load %arg10[%swap3A] {strides = array<i32>} : memref<640xf32, #tpu.memory_space<vmem>>, vector<16xf32>,
    %swap3A_3 = vector.shape_cast %swap3A_2 : vector<16xf32> to vector<16xf32>
    %swap3A_4 = vector.shape_cast %broadcast_in_dim3A_1 : vector<16xf32> to vector<16xf32>
    tpu.vector_store %arg10[%swap3A], %swap3A_4 {strides = array<i32>} : memref<640xf32, #tpu.memory_space<vmem>>, vector<16xf32>,
    %swap3A_5 = arith.constant 16 : index
    %swap3A_6 = tpu.vector_load %arg10[%swap3A_5] {strides = array<i32>} : memref<640xf32, #tpu.memory_space<vmem>>, vector<16xf32>,
    %swap3A_7 = vector.shape_cast %swap3A_6 : vector<16xf32> to vector<16xf32>
    %swap3A_8 = vector.shape_cast %broadcast_in_dim3A_1 : vector<16xf32> to vector<16xf32>
    tpu.vector_store %arg10[%swap3A_5], %swap3A_8 {strides = array<i32>} : memref<640xf32, #tpu.memory_space<vmem>>, vector<16xf32>,
    %swap3A_9 = arith.constant 32 : index
    %swap3A_10 = tpu.vector_load %arg10[%swap3A_9] {strides = array<i32>} : memref<640xf32, #tpu.memory_space<vmem>>, vector<16xf32>,
    %swap3A_11 = vector.shape_cast %swap3A_10 : vector<16xf32> to vector<16xf32>
    %swap3A_12 = vector.shape_cast %broadcast_in_dim3A_1 : vector<16xf32> to vector<16xf32>
    tpu.vector_store %arg10[%swap3A_9], %swap3A_12 {strides = array<i32>} : memref<640xf32, #tpu.memory_space<vmem>>, vector<16xf32>,
    %swap3A_13 = arith.constant 48 : index
    %swap3A_14 = tpu.vector_load %arg10[%swap3A_13] {strides = array<i32>} : memref<640xf32, #tpu.memory_space<vmem>>, vector<16xf32>,
    %swap3A_15 = vector.shape_cast %swap3A_14 : vector<16xf32> to vector<16xf32>
    %swap3A_16 = vector.shape_cast %broadcast_in_dim3A_1 : vector<16xf32> to vector<16xf32>
    tpu.vector_store %arg10[%swap3A_13], %swap3A_16 {strides = array<i32>} : memref<640xf32, #tpu.memory_space<vmem>>, vector<16xf32>,
    %swap3A_17 = arith.constant 64 : index
    %swap3A_18 = tpu.vector_load %arg10[%swap3A_17] {strides = array<i32>} : memref<640xf32, #tpu.memory_space<vmem>>, vector<16xf32>,
    %swap3A_19 = vector.shape_cast %swap3A_18 : vector<16xf32> to vector<16xf32>
    %swap3A_20 = vector.shape_cast %broadcast_in_dim3A_1 : vector<16xf32> to vector<16xf32>
    tpu.vector_store %arg10[%swap3A_17], %swap3A_20 {strides = array<i32>} : memref<640xf32, #tpu.memory_space<vmem>>, vector<16xf32>,
    %swap3A_21 = arith.constant 80 : index
    %swap3A_22 = tpu.vector_load %arg10[%swap3A_21] {strides = array<i32>} : memref<640xf32, #tpu.memory_space<vmem>>, vector<16xf32>,
    %swap3A_23 = vector.shape_cast %swap3A_22 : vector<16xf32> to vector<16xf32>
    %swap3A_24 = vector.shape_cast %broadcast_in_dim3A_1 : vector<16xf32> to vector<16xf32>
    tpu.vector_store %arg10[%swap3A_21], %swap3A_24 {strides = array<i32>} : memref<640xf32, #tpu.memory_space<vmem>>, vector<16xf32>,
    %swap3A_25 = arith.constant 96 : index
    %swap3A_26 = tpu.vector_load %arg10[%swap3A_25] {strides = array<i32>} : memref<640xf32, #tpu.memory_space<vmem>>, vector<16xf32>,
    %swap3A_27 = vector.shape_cast %swap3A_26 : vector<16xf32> to vector<16xf32>
    %swap3A_28 = vector.shape_cast %broadcast_in_dim3A_1 : vector<16xf32> to vector<16xf32>
    tpu.vector_store %arg10[%swap3A_25], %swap3A_28 {strides = array<i32>} : memref<640xf32, #tpu.memory_space<vmem>>, vector<16xf32>,
    %swap3A_29 = arith.constant 112 : index
    %swap3A_30 = tpu.vector_load %arg10[%swap3A_29] {strides = array<i32>} : memref<640xf32, #tpu.memory_space<vmem>>, vector<16xf32>,
    %swap3A_31 = vector.shape_cast %swap3A_30 : vector<16xf32> to vector<16xf32>
    %swap3A_32 = vector.shape_cast %broadcast_in_dim3A_1 : vector<16xf32> to vector<16xf32>
    tpu.vector_store %arg10[%swap3A_29], %swap3A_32 {strides = array<i32>} : memref<640xf32, #tpu.memory_space<vmem>>, vector<16xf32>,
    %swap3A_33 = arith.constant 128 : index
    %swap3A_34 = tpu.vector_load %arg10[%swap3A_33] {strides = array<i32>} : memref<640xf32, #tpu.memory_space<vmem>>, vector<16xf32>,
    %swap3A_35 = vector.shape_cast %swap3A_34 : vector<16xf32> to vector<16xf32>
    %swap3A_36 = vector.shape_cast %broadcast_in_dim3A_1 : vector<16xf32> to vector<16xf32>
    tpu.vector_store %arg10[%swap3A_33], %swap3A_36 {strides = array<i32>} : memref<640xf32, #tpu.memory_space<vmem>>, vector<16xf32>,
    %swap3A_37 = arith.constant 144 : index
    %swap3A_38 = tpu.vector_load %arg10[%swap3A_37] {strides = array<i32>} : memref<640xf32, #tpu.memory_space<vmem>>, vector<16xf32>,
    %swap3A_39 = vector.shape_cast %swap3A_38 : vector<16xf32> to vector<16xf32>
    %swap3A_40 = vector.shape_cast %broadcast_in_dim3A_1 : vector<16xf32> to vector<16xf32>
    tpu.vector_store %arg10[%swap3A_37], %swap3A_40 {strides = array<i32>} : memref<640xf32, #tpu.memory_space<vmem>>, vector<16xf32>,
    %swap3A_41 = arith.constant 160 : index
    %swap3A_42 = tpu.vector_load %arg10[%swap3A_41] {strides = array<i32>} : memref<640xf32, #tpu.memory_space<vmem>>, vector<16xf32>,
    %swap3A_43 = vector.shape_cast %swap3A_42 : vector<16xf32> to vector<16xf32>
    %swap3A_44 = vector.shape_cast %broadcast_in_dim3A_1 : vector<16xf32> to vector<16xf32>
    tpu.vector_store %arg10[%swap3A_41], %swap3A_44 {strides = array<i32>} : memref<640xf32, #tpu.memory_space<vmem>>, vector<16xf32>,
    %swap3A_45 = arith.constant 176 : index
    %swap3A_46 = tpu.vector_load %arg10[%swap3A_45] {strides = array<i32>} : memref<640xf32, #tpu.memory_space<vmem>>, vector<16xf32>,
    %swap3A_47 = vector.shape_cast %swap3A_46 : vector<16xf32> to vector<16xf32>
    %swap3A_48 = vector.shape_cast %broadcast_in_dim3A_1 : vector<16xf32> to vector<16xf32>
    tpu.vector_store %arg10[%swap3A_45], %swap3A_48 {strides = array<i32>} : memref<640xf32, #tpu.memory_space<vmem>>, vector<16xf32>,
    %swap3A_49 = arith.constant 192 : index
    %swap3A_50 = tpu.vector_load %arg10[%swap3A_49] {strides = array<i32>} : memref<640xf32, #tpu.memory_space<vmem>>, vector<16xf32>,
    %swap3A_51 = vector.shape_cast %swap3A_50 : vector<16xf32> to vector<16xf32>
    %swap3A_52 = vector.shape_cast %broadcast_in_dim3A_1 : vector<16xf32> to vector<16xf32>
    tpu.vector_store %arg10[%swap3A_49], %swap3A_52 {strides = array<i32>} : memref<640xf32, #tpu.memory_space<vmem>>, vector<16xf32>,
    %swap3A_53 = arith.constant 208 : index
    %swap3A_54 = tpu.vector_load %arg10[%swap3A_53] {strides = array<i32>} : memref<640xf32, #tpu.memory_space<vmem>>, vector<16xf32>,
    %swap3A_55 = vector.shape_cast %swap3A_54 : vector<16xf32> to vector<16xf32>
    %swap3A_56 = vector.shape_cast %broadcast_in_dim3A_1 : vector<16xf32> to vector<16xf32>
    tpu.vector_store %arg10[%swap3A_53], %swap3A_56 {strides = array<i32>} : memref<640xf32, #tpu.memory_space<vmem>>, vector<16xf32>,
    %swap3A_57 = arith.constant 224 : index
    %swap3A_58 = tpu.vector_load %arg10[%swap3A_57] {strides = array<i32>} : memref<640xf32, #tpu.memory_space<vmem>>, vector<16xf32>,
    %swap3A_59 = vector.shape_cast %swap3A_58 : vector<16xf32> to vector<16xf32>
    %swap3A_60 = vector.shape_cast %broadcast_in_dim3A_1 : vector<16xf32> to vector<16xf32>
    tpu.vector_store %arg10[%swap3A_57], %swap3A_60 {strides = array<i32>} : memref<640xf32, #tpu.memory_space<vmem>>, vector<16xf32>,
    %swap3A_61 = arith.constant 240 : index
    %swap3A_62 = tpu.vector_load %arg10[%swap3A_61] {strides = array<i32>} : memref<640xf32, #tpu.memory_space<vmem>>, vector<16xf32>,
    %swap3A_63 = vector.shape_cast %swap3A_62 : vector<16xf32> to vector<16xf32>
    %swap3A_64 = vector.shape_cast %broadcast_in_dim3A_1 : vector<16xf32> to vector<16xf32>
    tpu.vector_store %arg10[%swap3A_61], %swap3A_64 {strides = array<i32>} : memref<640xf32, #tpu.memory_space<vmem>>, vector<16xf32>,
    %swap3A_65 = arith.constant 256 : index
    %swap3A_66 = tpu.vector_load %arg10[%swap3A_65] {strides = array<i32>} : memref<640xf32, #tpu.memory_space<vmem>>, vector<16xf32>,
    %swap3A_67 = vector.shape_cast %swap3A_66 : vector<16xf32> to vector<16xf32>
    %swap3A_68 = vector.shape_cast %broadcast_in_dim3A_1 : vector<16xf32> to vector<16xf32>
    tpu.vector_store %arg10[%swap3A_65], %swap3A_68 {strides = array<i32>} : memref<640xf32, #tpu.memory_space<vmem>>, vector<16xf32>,
    %swap3A_69 = arith.constant 272 : index
    %swap3A_70 = tpu.vector_load %arg10[%swap3A_69] {strides = array<i32>} : memref<640xf32, #tpu.memory_space<vmem>>, vector<16xf32>,
    %swap3A_71 = vector.shape_cast %swap3A_70 : vector<16xf32> to vector<16xf32>
    %swap3A_72 = vector.shape_cast %broadcast_in_dim3A_1 : vector<16xf32> to vector<16xf32>
    tpu.vector_store %arg10[%swap3A_69], %swap3A_72 {strides = array<i32>} : memref<640xf32, #tpu.memory_space<vmem>>, vector<16xf32>,
    %swap3A_73 = arith.constant 288 : index
    %swap3A_74 = tpu.vector_load %arg10[%swap3A_73] {strides = array<i32>} : memref<640xf32, #tpu.memory_space<vmem>>, vector<16xf32>,
    %swap3A_75 = vector.shape_cast %swap3A_74 : vector<16xf32> to vector<16xf32>
    %swap3A_76 = vector.shape_cast %broadcast_in_dim3A_1 : vector<16xf32> to vector<16xf32>
    tpu.vector_store %arg10[%swap3A_73], %swap3A_76 {strides = array<i32>} : memref<640xf32, #tpu.memory_space<vmem>>, vector<16xf32>,
    %swap3A_77 = arith.constant 304 : index
    %swap3A_78 = tpu.vector_load %arg10[%swap3A_77] {strides = array<i32>} : memref<640xf32, #tpu.memory_space<vmem>>, vector<16xf32>,
    %swap3A_79 = vector.shape_cast %swap3A_78 : vector<16xf32> to vector<16xf32>
    %swap3A_80 = vector.shape_cast %broadcast_in_dim3A_1 : vector<16xf32> to vector<16xf32>
    tpu.vector_store %arg10[%swap3A_77], %swap3A_80 {strides = array<i32>} : memref<640xf32, #tpu.memory_space<vmem>>, vector<16xf32>,
    %swap3A_81 = arith.constant 320 : index
    %swap3A_82 = tpu.vector_load %arg10[%swap3A_81] {strides = array<i32>} : memref<640xf32, #tpu.memory_space<vmem>>, vector<16xf32>,
    %swap3A_83 = vector.shape_cast %swap3A_82 : vector<16xf32> to vector<16xf32>
    %swap3A_84 = vector.shape_cast %broadcast_in_dim3A_1 : vector<16xf32> to vector<16xf32>
    tpu.vector_store %arg10[%swap3A_81], %swap3A_84 {strides = array<i32>} : memref<640xf32, #tpu.memory_space<vmem>>, vector<16xf32>,
    %swap3A_85 = arith.constant 336 : index
    %swap3A_86 = tpu.vector_load %arg10[%swap3A_85] {strides = array<i32>} : memref<640xf32, #tpu.memory_space<vmem>>, vector<16xf32>,
    %swap3A_87 = vector.shape_cast %swap3A_86 : vector<16xf32> to vector<16xf32>
    %swap3A_88 = vector.shape_cast %broadcast_in_dim3A_1 : vector<16xf32> to vector<16xf32>
    tpu.vector_store %arg10[%swap3A_85], %swap3A_88 {strides = array<i32>} : memref<640xf32, #tpu.memory_space<vmem>>, vector<16xf32>,
    %swap3A_89 = arith.constant 352 : index
    %swap3A_90 = tpu.vector_load %arg10[%swap3A_89] {strides = array<i32>} : memref<640xf32, #tpu.memory_space<vmem>>, vector<16xf32>,
    %swap3A_91 = vector.shape_cast %swap3A_90 : vector<16xf32> to vector<16xf32>
    %swap3A_92 = vector.shape_cast %broadcast_in_dim3A_1 : vector<16xf32> to vector<16xf32>
    tpu.vector_store %arg10[%swap3A_89], %swap3A_92 {strides = array<i32>} : memref<640xf32, #tpu.memory_space<vmem>>, vector<16xf32>,
    %swap3A_93 = arith.constant 368 : index
    %swap3A_94 = tpu.vector_load %arg10[%swap3A_93] {strides = array<i32>} : memref<640xf32, #tpu.memory_space<vmem>>, vector<16xf32>,
    %swap3A_95 = vector.shape_cast %swap3A_94 : vector<16xf32> to vector<16xf32>
    %swap3A_96 = vector.shape_cast %broadcast_in_dim3A_1 : vector<16xf32> to vector<16xf32>
    tpu.vector_store %arg10[%swap3A_93], %swap3A_96 {strides = array<i32>} : memref<640xf32, #tpu.memory_space<vmem>>, vector<16xf32>,
    %swap3A_97 = arith.constant 384 : index
    %swap3A_98 = tpu.vector_load %arg10[%swap3A_97] {strides = array<i32>} : memref<640xf32, #tpu.memory_space<vmem>>, vector<16xf32>,
    %swap3A_99 = vector.shape_cast %swap3A_98 : vector<16xf32> to vector<16xf32>
    %swap3A_100 = vector.shape_cast %broadcast_in_dim3A_1 : vector<16xf32> to vector<16xf32>
    tpu.vector_store %arg10[%swap3A_97], %swap3A_100 {strides = array<i32>} : memref<640xf32, #tpu.memory_space<vmem>>, vector<16xf32>,
    %swap3A_101 = arith.constant 400 : index
    %swap3A_102 = tpu.vector_load %arg10[%swap3A_101] {strides = array<i32>} : memref<640xf32, #tpu.memory_space<vmem>>, vector<16xf32>,
    %swap3A_103 = vector.shape_cast %swap3A_102 : vector<16xf32> to vector<16xf32>
    %swap3A_104 = vector.shape_cast %broadcast_in_dim3A_1 : vector<16xf32> to vector<16xf32>
    tpu.vector_store %arg10[%swap3A_101], %swap3A_104 {strides = array<i32>} : memref<640xf32, #tpu.memory_space<vmem>>, vector<16xf32>,
    %swap3A_105 = arith.constant 416 : index
    %swap3A_106 = tpu.vector_load %arg10[%swap3A_105] {strides = array<i32>} : memref<640xf32, #tpu.memory_space<vmem>>, vector<16xf32>,
    %swap3A_107 = vector.shape_cast %swap3A_106 : vector<16xf32> to vector<16xf32>
    %swap3A_108 = vector.shape_cast %broadcast_in_dim3A_1 : vector<16xf32> to vector<16xf32>
    tpu.vector_store %arg10[%swap3A_105], %swap3A_108 {strides = array<i32>} : memref<640xf32, #tpu.memory_space<vmem>>, vector<16xf32>,
    %swap3A_109 = arith.constant 432 : index
    %swap3A_110 = tpu.vector_load %arg10[%swap3A_109] {strides = array<i32>} : memref<640xf32, #tpu.memory_space<vmem>>, vector<16xf32>,
    %swap3A_111 = vector.shape_cast %swap3A_110 : vector<16xf32> to vector<16xf32>
    %swap3A_112 = vector.shape_cast %broadcast_in_dim3A_1 : vector<16xf32> to vector<16xf32>
    tpu.vector_store %arg10[%swap3A_109], %swap3A_112 {strides = array<i32>} : memref<640xf32, #tpu.memory_space<vmem>>, vector<16xf32>,
    %swap3A_113 = arith.constant 448 : index
    %swap3A_114 = tpu.vector_load %arg10[%swap3A_113] {strides = array<i32>} : memref<640xf32, #tpu.memory_space<vmem>>, vector<16xf32>,
    %swap3A_115 = vector.shape_cast %swap3A_114 : vector<16xf32> to vector<16xf32>
    %swap3A_116 = vector.shape_cast %broadcast_in_dim3A_1 : vector<16xf32> to vector<16xf32>
    tpu.vector_store %arg10[%swap3A_113], %swap3A_116 {strides = array<i32>} : memref<640xf32, #tpu.memory_space<vmem>>, vector<16xf32>,
    %swap3A_117 = arith.constant 464 : index
    %swap3A_118 = tpu.vector_load %arg10[%swap3A_117] {strides = array<i32>} : memref<640xf32, #tpu.memory_space<vmem>>, vector<16xf32>,
    %swap3A_119 = vector.shape_cast %swap3A_118 : vector<16xf32> to vector<16xf32>
    %swap3A_120 = vector.shape_cast %broadcast_in_dim3A_1 : vector<16xf32> to vector<16xf32>
    tpu.vector_store %arg10[%swap3A_117], %swap3A_120 {strides = array<i32>} : memref<640xf32, #tpu.memory_space<vmem>>, vector<16xf32>,
    %swap3A_121 = arith.constant 480 : index
    %swap3A_122 = tpu.vector_load %arg10[%swap3A_121] {strides = array<i32>} : memref<640xf32, #tpu.memory_space<vmem>>, vector<16xf32>,
    %swap3A_123 = vector.shape_cast %swap3A_122 : vector<16xf32> to vector<16xf32>
    %swap3A_124 = vector.shape_cast %broadcast_in_dim3A_1 : vector<16xf32> to vector<16xf32>
    tpu.vector_store %arg10[%swap3A_121], %swap3A_124 {strides = array<i32>} : memref<640xf32, #tpu.memory_space<vmem>>, vector<16xf32>,
    %swap3A_125 = arith.constant 496 : index
    %swap3A_126 = tpu.vector_load %arg10[%swap3A_125] {strides = array<i32>} : memref<640xf32, #tpu.memory_space<vmem>>, vector<16xf32>,
    %swap3A_127 = vector.shape_cast %swap3A_126 : vector<16xf32> to vector<16xf32>
    %swap3A_128 = vector.shape_cast %broadcast_in_dim3A_1 : vector<16xf32> to vector<16xf32>
    tpu.vector_store %arg10[%swap3A_125], %swap3A_128 {strides = array<i32>} : memref<640xf32, #tpu.memory_space<vmem>>, vector<16xf32>,
    %swap3A_129 = arith.constant 512 : index
    %swap3A_130 = tpu.vector_load %arg10[%swap3A_129] {strides = array<i32>} : memref<640xf32, #tpu.memory_space<vmem>>, vector<16xf32>,
    %swap3A_131 = vector.shape_cast %swap3A_130 : vector<16xf32> to vector<16xf32>
    %swap3A_132 = vector.shape_cast %broadcast_in_dim3A_1 : vector<16xf32> to vector<16xf32>
    tpu.vector_store %arg10[%swap3A_129], %swap3A_132 {strides = array<i32>} : memref<640xf32, #tpu.memory_space<vmem>>, vector<16xf32>,
    %swap3A_133 = arith.constant 528 : index
    %swap3A_134 = tpu.vector_load %arg10[%swap3A_133] {strides = array<i32>} : memref<640xf32, #tpu.memory_space<vmem>>, vector<16xf32>,
    %swap3A_135 = vector.shape_cast %swap3A_134 : vector<16xf32> to vector<16xf32>
    %swap3A_136 = vector.shape_cast %broadcast_in_dim3A_1 : vector<16xf32> to vector<16xf32>
    tpu.vector_store %arg10[%swap3A_133], %swap3A_136 {strides = array<i32>} : memref<640xf32, #tpu.memory_space<vmem>>, vector<16xf32>,
    %swap3A_137 = arith.constant 544 : index
    %swap3A_138 = tpu.vector_load %arg10[%swap3A_137] {strides = array<i32>} : memref<640xf32, #tpu.memory_space<vmem>>, vector<16xf32>,
    %swap3A_139 = vector.shape_cast %swap3A_138 : vector<16xf32> to vector<16xf32>
    %swap3A_140 = vector.shape_cast %broadcast_in_dim3A_1 : vector<16xf32> to vector<16xf32>
    tpu.vector_store %arg10[%swap3A_137], %swap3A_140 {strides = array<i32>} : memref<640xf32, #tpu.memory_space<vmem>>, vector<16xf32>,
    %swap3A_141 = arith.constant 560 : index
    %swap3A_142 = tpu.vector_load %arg10[%swap3A_141] {strides = array<i32>} : memref<640xf32, #tpu.memory_space<vmem>>, vector<16xf32>,
    %swap3A_143 = vector.shape_cast %swap3A_142 : vector<16xf32> to vector<16xf32>
    %swap3A_144 = vector.shape_cast %broadcast_in_dim3A_1 : vector<16xf32> to vector<16xf32>
    tpu.vector_store %arg10[%swap3A_141], %swap3A_144 {strides = array<i32>} : memref<640xf32, #tpu.memory_space<vmem>>, vector<16xf32>,
    %swap3A_145 = arith.constant 576 : index
    %swap3A_146 = tpu.vector_load %arg10[%swap3A_145] {strides = array<i32>} : memref<640xf32, #tpu.memory_space<vmem>>, vector<16xf32>,
    %swap3A_147 = vector.shape_cast %swap3A_146 : vector<16xf32> to vector<16xf32>
    %swap3A_148 = vector.shape_cast %broadcast_in_dim3A_1 : vector<16xf32> to vector<16xf32>
    tpu.vector_store %arg10[%swap3A_145], %swap3A_148 {strides = array<i32>} : memref<640xf32, #tpu.memory_space<vmem>>, vector<16xf32>,
    %swap3A_149 = arith.constant 592 : index
    %swap3A_150 = tpu.vector_load %arg10[%swap3A_149] {strides = array<i32>} : memref<640xf32, #tpu.memory_space<vmem>>, vector<16xf32>,
    %swap3A_151 = vector.shape_cast %swap3A_150 : vector<16xf32> to vector<16xf32>
    %swap3A_152 = vector.shape_cast %broadcast_in_dim3A_1 : vector<16xf32> to vector<16xf32>
    tpu.vector_store %arg10[%swap3A_149], %swap3A_152 {strides = array<i32>} : memref<640xf32, #tpu.memory_space<vmem>>, vector<16xf32>,
    %swap3A_153 = arith.constant 608 : index
    %swap3A_154 = tpu.vector_load %arg10[%swap3A_153] {strides = array<i32>} : memref<640xf32, #tpu.memory_space<vmem>>, vector<16xf32>,
    %swap3A_155 = vector.shape_cast %swap3A_154 : vector<16xf32> to vector<16xf32>
    %swap3A_156 = vector.shape_cast %broadcast_in_dim3A_1 : vector<16xf32> to vector<16xf32>
    tpu.vector_store %arg10[%swap3A_153], %swap3A_156 {strides = array<i32>} : memref<640xf32, #tpu.memory_space<vmem>>, vector<16xf32>,
    %swap3A_157 = arith.constant 624 : index
    %swap3A_158 = tpu.vector_load %arg10[%swap3A_157] {strides = array<i32>} : memref<640xf32, #tpu.memory_space<vmem>>, vector<16xf32>,
    %swap3A_159 = vector.shape_cast %swap3A_158 : vector<16xf32> to vector<16xf32>
    %swap3A_160 = vector.shape_cast %broadcast_in_dim3A_1 : vector<16xf32> to vector<16xf32>
    tpu.vector_store %arg10[%swap3A_157], %swap3A_160 {strides = array<i32>} : memref<640xf32, #tpu.memory_space<vmem>>, vector<16xf32>,
    %mul3A_161 = arith.constant 640 : i32
    %mul3A_162 = arith.muli %arg1, %mul3A_161 : i32
    "tpu.region"() ({
      %run_scoped3A = tpu.sem_alloc : memref<!tpu.dma_semaphore, #tpu.memory_space<semaphore_mem>>
      %dma_start3A = tpu.memref_slice %arg13[%mul3A_162] : memref<10240xf32, #tpu.memory_space<vmem_shared>> -> memref<640xf32, #tpu.memory_space<vmem_shared>>
      %dma_start3A_209 = tpu.memref_slice %arg13[%mul3A_162] : memref<10240xf32, #tpu.memory_space<vmem_shared>> -> memref<640xf32, #tpu.memory_space<vmem_shared>>
      tpu.enqueue_dma source(%arg10 : memref<640xf32, #tpu.memory_space<vmem>>) target(%dma_start3A_209 : memref<640xf32, #tpu.memory_space<vmem_shared>>) target_semaphore(%run_scoped3A : memref<!tpu.dma_semaphore, #tpu.memory_space<semaphore_mem>>)
      %dma_wait3A = tpu.memref_slice %arg13[%mul3A_162] : memref<10240xf32, #tpu.memory_space<vmem_shared>> -> memref<640xf32, #tpu.memory_space<vmem_shared>>
      %dma_wait3A_210 = tpu.memref_slice %arg13[%mul3A_162] : memref<10240xf32, #tpu.memory_space<vmem_shared>> -> memref<640xf32, #tpu.memory_space<vmem_shared>>
      tpu.wait_dma2 semaphore(%run_scoped3A : memref<!tpu.dma_semaphore, #tpu.memory_space<semaphore_mem>>) src(%arg10 : memref<640xf32, #tpu.memory_space<vmem>>) dst(%dma_wait3A_210 : memref<640xf32, #tpu.memory_space<vmem_shared>>)
      tpu.yield
    }) : () -> ()
    %mul3A_163 = arith.constant 640 : i32
    %mul3A_164 = arith.muli %arg1, %mul3A_163 : i32
    "tpu.region"() ({
      %run_scoped3A = tpu.sem_alloc : memref<!tpu.dma_semaphore, #tpu.memory_space<semaphore_mem>>
      %dma_start3A = tpu.memref_slice %arg14[%mul3A_164] : memref<10240xf32, #tpu.memory_space<vmem_shared>> -> memref<640xf32, #tpu.memory_space<vmem_shared>>
      %dma_start3A_209 = tpu.memref_slice %arg14[%mul3A_164] : memref<10240xf32, #tpu.memory_space<vmem_shared>> -> memref<640xf32, #tpu.memory_space<vmem_shared>>
      tpu.enqueue_dma source(%arg10 : memref<640xf32, #tpu.memory_space<vmem>>) target(%dma_start3A_209 : memref<640xf32, #tpu.memory_space<vmem_shared>>) target_semaphore(%run_scoped3A : memref<!tpu.dma_semaphore, #tpu.memory_space<semaphore_mem>>)
      %dma_wait3A = tpu.memref_slice %arg14[%mul3A_164] : memref<10240xf32, #tpu.memory_space<vmem_shared>> -> memref<640xf32, #tpu.memory_space<vmem_shared>>
      %dma_wait3A_210 = tpu.memref_slice %arg14[%mul3A_164] : memref<10240xf32, #tpu.memory_space<vmem_shared>> -> memref<640xf32, #tpu.memory_space<vmem_shared>>
      tpu.wait_dma2 semaphore(%run_scoped3A : memref<!tpu.dma_semaphore, #tpu.memory_space<semaphore_mem>>) src(%arg10 : memref<640xf32, #tpu.memory_space<vmem>>) dst(%dma_wait3A_210 : memref<640xf32, #tpu.memory_space<vmem_shared>>)
      tpu.yield
    }) : () -> ()
    %mul3A_165 = arith.constant 640 : i32
    %mul3A_166 = arith.muli %arg1, %mul3A_165 : i32
    %mul3A_167 = arith.constant 640 : i32
    %mul3A_168 = arith.muli %arg1, %mul3A_167 : i32
    "tpu.region"() ({
      %run_scoped3A = tpu.sem_alloc : memref<!tpu.dma_semaphore, #tpu.memory_space<semaphore_mem>>
      %dma_start3A = tpu.memref_slice %arg15[%mul3A_168] : memref<10240xf32, #tpu.memory_space<vmem_shared>> -> memref<640xf32, #tpu.memory_space<vmem_shared>>
      %dma_start3A_209 = tpu.memref_slice %arg4[%mul3A_166] : memref<20480xf32, #tpu.memory_space<hbm>> -> memref<640xf32, #tpu.memory_space<hbm>>
      tpu.enqueue_dma source(%dma_start3A_209 : memref<640xf32, #tpu.memory_space<hbm>>) target(%dma_start3A : memref<640xf32, #tpu.memory_space<vmem_shared>>) target_semaphore(%run_scoped3A : memref<!tpu.dma_semaphore, #tpu.memory_space<semaphore_mem>>)
      %dma_wait3A = tpu.memref_slice %arg15[%mul3A_168] : memref<10240xf32, #tpu.memory_space<vmem_shared>> -> memref<640xf32, #tpu.memory_space<vmem_shared>>
      %dma_wait3A_210 = tpu.memref_slice %arg4[%mul3A_166] : memref<20480xf32, #tpu.memory_space<hbm>> -> memref<640xf32, #tpu.memory_space<hbm>>
      tpu.wait_dma2 semaphore(%run_scoped3A : memref<!tpu.dma_semaphore, #tpu.memory_space<semaphore_mem>>) src(%dma_wait3A_210 : memref<640xf32, #tpu.memory_space<hbm>>) dst(%dma_wait3A : memref<640xf32, #tpu.memory_space<vmem_shared>>)
      tpu.yield
    }) : () -> ()
    %mul3A_169 = arith.constant 640 : i32
    %mul3A_170 = arith.muli %arg1, %mul3A_169 : i32
    %add3A_171 = arith.constant 10240 : i32
    %add3A_172 = arith.addi %add3A_171, %mul3A_170 : i32
    %mul3A_173 = arith.constant 640 : i32
    %mul3A_174 = arith.muli %arg1, %mul3A_173 : i32
    "tpu.region"() ({
      %run_scoped3A = tpu.sem_alloc : memref<!tpu.dma_semaphore, #tpu.memory_space<semaphore_mem>>
      %dma_start3A = tpu.memref_slice %arg16[%mul3A_174] : memref<10240xf32, #tpu.memory_space<vmem_shared>> -> memref<640xf32, #tpu.memory_space<vmem_shared>>
      %dma_start3A_209 = tpu.memref_slice %arg4[%add3A_172] : memref<20480xf32, #tpu.memory_space<hbm>> -> memref<640xf32, #tpu.memory_space<hbm>>
      tpu.enqueue_dma source(%dma_start3A_209 : memref<640xf32, #tpu.memory_space<hbm>>) target(%dma_start3A : memref<640xf32, #tpu.memory_space<vmem_shared>>) target_semaphore(%run_scoped3A : memref<!tpu.dma_semaphore, #tpu.memory_space<semaphore_mem>>)
      %dma_wait3A = tpu.memref_slice %arg16[%mul3A_174] : memref<10240xf32, #tpu.memory_space<vmem_shared>> -> memref<640xf32, #tpu.memory_space<vmem_shared>>
      %dma_wait3A_210 = tpu.memref_slice %arg4[%add3A_172] : memref<20480xf32, #tpu.memory_space<hbm>> -> memref<640xf32, #tpu.memory_space<hbm>>
      tpu.wait_dma2 semaphore(%run_scoped3A : memref<!tpu.dma_semaphore, #tpu.memory_space<semaphore_mem>>) src(%dma_wait3A_210 : memref<640xf32, #tpu.memory_space<hbm>>) dst(%dma_wait3A : memref<640xf32, #tpu.memory_space<vmem_shared>>)
      tpu.yield
    }) : () -> ()
    "tpu.region"() ({
      %run_scoped3A = tpu.sem_alloc : memref<!tpu.dma_semaphore, #tpu.memory_space<semaphore_mem>>
      %dma_start3A = arith.constant 0 : i32
      %dma_start3A_209 = arith.constant 0 : i32
      %dma_start3A_210 = tpu.memref_slice %arg2[%add3A, %dma_start3A, %dma_start3A_209] : memref<32x80x128xi32, #tpu.memory_space<hbm>> -> memref<1x80x128xi32, #tpu.memory_space<hbm>>
      %dma_start3A_211 = tpu.memref_squeeze %dma_start3A_210 : memref<1x80x128xi32, #tpu.memory_space<hbm>> -> memref<80x128xi32, #tpu.memory_space<hbm>>
      %dma_start3A_212 = arith.constant 0 : i32
      %dma_start3A_213 = arith.constant 0 : i32
      %dma_start3A_214 = tpu.memref_slice %arg2[%add3A, %dma_start3A_212, %dma_start3A_213] : memref<32x80x128xi32, #tpu.memory_space<hbm>> -> memref<1x80x128xi32, #tpu.memory_space<hbm>>
      %dma_start3A_215 = tpu.memref_squeeze %dma_start3A_214 : memref<1x80x128xi32, #tpu.memory_space<hbm>> -> memref<80x128xi32, #tpu.memory_space<hbm>>
      tpu.enqueue_dma source(%dma_start3A_215 : memref<80x128xi32, #tpu.memory_space<hbm>>) target(%arg6 : memref<80x128xi32, #tpu.memory_space<vmem>>) target_semaphore(%run_scoped3A : memref<!tpu.dma_semaphore, #tpu.memory_space<semaphore_mem>>)
      %dma_wait3A = arith.constant 0 : i32
      %dma_wait3A_216 = arith.constant 0 : i32
      %dma_wait3A_217 = tpu.memref_slice %arg2[%add3A, %dma_wait3A, %dma_wait3A_216] : memref<32x80x128xi32, #tpu.memory_space<hbm>> -> memref<1x80x128xi32, #tpu.memory_space<hbm>>
      %dma_wait3A_218 = tpu.memref_squeeze %dma_wait3A_217 : memref<1x80x128xi32, #tpu.memory_space<hbm>> -> memref<80x128xi32, #tpu.memory_space<hbm>>
      %dma_wait3A_219 = arith.constant 0 : i32
      %dma_wait3A_220 = arith.constant 0 : i32
      %dma_wait3A_221 = tpu.memref_slice %arg2[%add3A, %dma_wait3A_219, %dma_wait3A_220] : memref<32x80x128xi32, #tpu.memory_space<hbm>> -> memref<1x80x128xi32, #tpu.memory_space<hbm>>
      %dma_wait3A_222 = tpu.memref_squeeze %dma_wait3A_221 : memref<1x80x128xi32, #tpu.memory_space<hbm>> -> memref<80x128xi32, #tpu.memory_space<hbm>>
      tpu.wait_dma2 semaphore(%run_scoped3A : memref<!tpu.dma_semaphore, #tpu.memory_space<semaphore_mem>>) src(%dma_wait3A_222 : memref<80x128xi32, #tpu.memory_space<hbm>>) dst(%arg6 : memref<80x128xi32, #tpu.memory_space<vmem>>)
      tpu.yield
    }) : () -> ()
    "tpu.region"() ({
      %run_scoped3A = tpu.sem_alloc : memref<!tpu.dma_semaphore, #tpu.memory_space<semaphore_mem>>
      %dma_start3A = arith.constant 0 : i32
      %dma_start3A_209 = arith.constant 0 : i32
      %dma_start3A_210 = tpu.memref_slice %arg3[%add3A, %dma_start3A, %dma_start3A_209] : memref<32x80x128xi32, #tpu.memory_space<hbm>> -> memref<1x80x128xi32, #tpu.memory_space<hbm>>
      %dma_start3A_211 = tpu.memref_squeeze %dma_start3A_210 : memref<1x80x128xi32, #tpu.memory_space<hbm>> -> memref<80x128xi32, #tpu.memory_space<hbm>>
      %dma_start3A_212 = arith.constant 0 : i32
      %dma_start3A_213 = arith.constant 0 : i32
      %dma_start3A_214 = tpu.memref_slice %arg3[%add3A, %dma_start3A_212, %dma_start3A_213] : memref<32x80x128xi32, #tpu.memory_space<hbm>> -> memref<1x80x128xi32, #tpu.memory_space<hbm>>
      %dma_start3A_215 = tpu.memref_squeeze %dma_start3A_214 : memref<1x80x128xi32, #tpu.memory_space<hbm>> -> memref<80x128xi32, #tpu.memory_space<hbm>>
      tpu.enqueue_dma source(%dma_start3A_215 : memref<80x128xi32, #tpu.memory_space<hbm>>) target(%arg7 : memref<80x128xi32, #tpu.memory_space<vmem>>) target_semaphore(%run_scoped3A : memref<!tpu.dma_semaphore, #tpu.memory_space<semaphore_mem>>)
      %dma_wait3A = arith.constant 0 : i32
      %dma_wait3A_216 = arith.constant 0 : i32
      %dma_wait3A_217 = tpu.memref_slice %arg3[%add3A, %dma_wait3A, %dma_wait3A_216] : memref<32x80x128xi32, #tpu.memory_space<hbm>> -> memref<1x80x128xi32, #tpu.memory_space<hbm>>
      %dma_wait3A_218 = tpu.memref_squeeze %dma_wait3A_217 : memref<1x80x128xi32, #tpu.memory_space<hbm>> -> memref<80x128xi32, #tpu.memory_space<hbm>>
      %dma_wait3A_219 = arith.constant 0 : i32
      %dma_wait3A_220 = arith.constant 0 : i32
      %dma_wait3A_221 = tpu.memref_slice %arg3[%add3A, %dma_wait3A_219, %dma_wait3A_220] : memref<32x80x128xi32, #tpu.memory_space<hbm>> -> memref<1x80x128xi32, #tpu.memory_space<hbm>>
      %dma_wait3A_222 = tpu.memref_squeeze %dma_wait3A_221 : memref<1x80x128xi32, #tpu.memory_space<hbm>> -> memref<80x128xi32, #tpu.memory_space<hbm>>
      tpu.wait_dma2 semaphore(%run_scoped3A : memref<!tpu.dma_semaphore, #tpu.memory_space<semaphore_mem>>) src(%dma_wait3A_222 : memref<80x128xi32, #tpu.memory_space<hbm>>) dst(%arg7 : memref<80x128xi32, #tpu.memory_space<vmem>>)
      tpu.yield
    }) : () -> ()
    %barrier3A = arith.constant 0 : index
    tpu.barrier barrier_id(%barrier3A)
    %scan3A = arith.constant 0 : i32
    %scan3A_175 = arith.constant 0 : i32
    %scan3A_176 = arith.constant 80 : i32
    %scan3A_177 = arith.addi %scan3A_175, %scan3A_176 : i32
    %scan3A_178 = arith.constant 1 : i32
    scf.for %scan3A_209 = %scan3A_175 to %scan3A_177 step %scan3A_178  : i32 {
      %dma_start3A = arith.constant 0 : i32
      %dma_start3A_210 = tpu.memref_slice %arg8[%scan3A_209, %dma_start3A] : memref<80x128xf32, #tpu.memory_space<vmem>> -> memref<1x128xf32, #tpu.memory_space<vmem>>
      %dma_start3A_211 = tpu.memref_squeeze %dma_start3A_210 : memref<1x128xf32, #tpu.memory_space<vmem>> -> memref<128xf32, #tpu.memory_space<vmem>>
      %dma_start3A_212 = arith.constant 0 : i32
      %dma_start3A_213 = tpu.memref_slice %arg6[%scan3A_209, %dma_start3A_212] : memref<80x128xi32, #tpu.memory_space<vmem>> -> memref<1x128xi32, #tpu.memory_space<vmem>>
      %dma_start3A_214 = tpu.memref_squeeze %dma_start3A_213 : memref<1x128xi32, #tpu.memory_space<vmem>> -> memref<128xi32, #tpu.memory_space<vmem>>
      %dma_start3A_215 = arith.constant 0 : i32
      %dma_start3A_216 = tpu.memref_slice %arg15[%dma_start3A_215] : memref<10240xf32, #tpu.memory_space<vmem_shared>> -> memref<10240xf32, #tpu.memory_space<vmem_shared>>
      tpu.enqueue_indirect_dma source(%dma_start3A_216 : memref<10240xf32, #tpu.memory_space<vmem_shared>>) target(%dma_start3A_211 : memref<128xf32, #tpu.memory_space<vmem>>) offsets(%dma_start3A_214 : memref<128xi32, #tpu.memory_space<vmem>>) semaphore(%arg11 : memref<!tpu.dma_semaphore, #tpu.memory_space<semaphore_mem>>)
      %dma_start3A_217 = arith.constant 0 : i32
      %dma_start3A_218 = tpu.memref_slice %arg9[%scan3A_209, %dma_start3A_217] : memref<80x128xf32, #tpu.memory_space<vmem>> -> memref<1x128xf32, #tpu.memory_space<vmem>>
      %dma_start3A_219 = tpu.memref_squeeze %dma_start3A_218 : memref<1x128xf32, #tpu.memory_space<vmem>> -> memref<128xf32, #tpu.memory_space<vmem>>
      %dma_start3A_220 = arith.constant 0 : i32
      %dma_start3A_221 = tpu.memref_slice %arg6[%scan3A_209, %dma_start3A_220] : memref<80x128xi32, #tpu.memory_space<vmem>> -> memref<1x128xi32, #tpu.memory_space<vmem>>
      %dma_start3A_222 = tpu.memref_squeeze %dma_start3A_221 : memref<1x128xi32, #tpu.memory_space<vmem>> -> memref<128xi32, #tpu.memory_space<vmem>>
      %dma_start3A_223 = arith.constant 0 : i32
      %dma_start3A_224 = tpu.memref_slice %arg16[%dma_start3A_223] : memref<10240xf32, #tpu.memory_space<vmem_shared>> -> memref<10240xf32, #tpu.memory_space<vmem_shared>>
      tpu.enqueue_indirect_dma source(%dma_start3A_224 : memref<10240xf32, #tpu.memory_space<vmem_shared>>) target(%dma_start3A_219 : memref<128xf32, #tpu.memory_space<vmem>>) offsets(%dma_start3A_222 : memref<128xi32, #tpu.memory_space<vmem>>) semaphore(%arg11 : memref<!tpu.dma_semaphore, #tpu.memory_space<semaphore_mem>>)
    }
    %scan3A_179 = arith.constant 80 : i32
    %scan3A_180 = arith.constant 0 : i32
    %scan3A_181 = arith.constant 0 : i32
    %scan3A_182 = arith.constant 80 : i32
    %scan3A_183 = arith.addi %scan3A_181, %scan3A_182 : i32
    %scan3A_184 = arith.constant 1 : i32
    scf.for %scan3A_209 = %scan3A_181 to %scan3A_183 step %scan3A_184  : i32 {
      %dma_wait3A = arith.constant 0 : i32
      %dma_wait3A_210 = tpu.memref_slice %arg8[%scan3A_209, %dma_wait3A] : memref<80x128xf32, #tpu.memory_space<vmem>> -> memref<1x128xf32, #tpu.memory_space<vmem>>
      %dma_wait3A_211 = tpu.memref_squeeze %dma_wait3A_210 : memref<1x128xf32, #tpu.memory_space<vmem>> -> memref<128xf32, #tpu.memory_space<vmem>>
      %dma_wait3A_212 = arith.constant 0 : i32
      %dma_wait3A_213 = tpu.memref_slice %arg6[%scan3A_209, %dma_wait3A_212] : memref<80x128xi32, #tpu.memory_space<vmem>> -> memref<1x128xi32, #tpu.memory_space<vmem>>
      %dma_wait3A_214 = tpu.memref_squeeze %dma_wait3A_213 : memref<1x128xi32, #tpu.memory_space<vmem>> -> memref<128xi32, #tpu.memory_space<vmem>>
      %dma_wait3A_215 = arith.constant 0 : i32
      %dma_wait3A_216 = tpu.memref_slice %arg15[%dma_wait3A_215] : memref<10240xf32, #tpu.memory_space<vmem_shared>> -> memref<10240xf32, #tpu.memory_space<vmem_shared>>
      tpu.wait_indirect_dma semaphore(%arg11 : memref<!tpu.dma_semaphore, #tpu.memory_space<semaphore_mem>>) src(%dma_wait3A_216 : memref<10240xf32, #tpu.memory_space<vmem_shared>>) dst(%dma_wait3A_211 : memref<128xf32, #tpu.memory_space<vmem>>)
      %dma_wait3A_217 = arith.constant 0 : i32
      %dma_wait3A_218 = tpu.memref_slice %arg9[%scan3A_209, %dma_wait3A_217] : memref<80x128xf32, #tpu.memory_space<vmem>> -> memref<1x128xf32, #tpu.memory_space<vmem>>
      %dma_wait3A_219 = tpu.memref_squeeze %dma_wait3A_218 : memref<1x128xf32, #tpu.memory_space<vmem>> -> memref<128xf32, #tpu.memory_space<vmem>>
      %dma_wait3A_220 = arith.constant 0 : i32
      %dma_wait3A_221 = tpu.memref_slice %arg6[%scan3A_209, %dma_wait3A_220] : memref<80x128xi32, #tpu.memory_space<vmem>> -> memref<1x128xi32, #tpu.memory_space<vmem>>
      %dma_wait3A_222 = tpu.memref_squeeze %dma_wait3A_221 : memref<1x128xi32, #tpu.memory_space<vmem>> -> memref<128xi32, #tpu.memory_space<vmem>>
      %dma_wait3A_223 = arith.constant 0 : i32
      %dma_wait3A_224 = tpu.memref_slice %arg16[%dma_wait3A_223] : memref<10240xf32, #tpu.memory_space<vmem_shared>> -> memref<10240xf32, #tpu.memory_space<vmem_shared>>
      tpu.wait_indirect_dma semaphore(%arg11 : memref<!tpu.dma_semaphore, #tpu.memory_space<semaphore_mem>>) src(%dma_wait3A_224 : memref<10240xf32, #tpu.memory_space<vmem_shared>>) dst(%dma_wait3A_219 : memref<128xf32, #tpu.memory_space<vmem>>)
      %dma_start3A = arith.constant 0 : i32
      %dma_start3A_225 = tpu.memref_slice %arg8[%scan3A_209, %dma_start3A] : memref<80x128xf32, #tpu.memory_space<vmem>> -> memref<1x128xf32, #tpu.memory_space<vmem>>
      %dma_start3A_226 = tpu.memref_squeeze %dma_start3A_225 : memref<1x128xf32, #tpu.memory_space<vmem>> -> memref<128xf32, #tpu.memory_space<vmem>>
      %dma_start3A_227 = arith.constant 0 : i32
      %dma_start3A_228 = tpu.memref_slice %arg7[%scan3A_209, %dma_start3A_227] : memref<80x128xi32, #tpu.memory_space<vmem>> -> memref<1x128xi32, #tpu.memory_space<vmem>>
      %dma_start3A_229 = tpu.memref_squeeze %dma_start3A_228 : memref<1x128xi32, #tpu.memory_space<vmem>> -> memref<128xi32, #tpu.memory_space<vmem>>
      %dma_start3A_230 = arith.constant 0 : i32
      %dma_start3A_231 = tpu.memref_slice %arg13[%dma_start3A_230] : memref<10240xf32, #tpu.memory_space<vmem_shared>> -> memref<10240xf32, #tpu.memory_space<vmem_shared>>
      tpu.enqueue_indirect_dma source(%dma_start3A_226 : memref<128xf32, #tpu.memory_space<vmem>>) target(%dma_start3A_231 : memref<10240xf32, #tpu.memory_space<vmem_shared>>) offsets(%dma_start3A_229 : memref<128xi32, #tpu.memory_space<vmem>>) semaphore(%arg12 : memref<!tpu.dma_semaphore, #tpu.memory_space<semaphore_mem>>) {add = true}
      %dma_start3A_232 = arith.constant 0 : i32
      %dma_start3A_233 = tpu.memref_slice %arg9[%scan3A_209, %dma_start3A_232] : memref<80x128xf32, #tpu.memory_space<vmem>> -> memref<1x128xf32, #tpu.memory_space<vmem>>
      %dma_start3A_234 = tpu.memref_squeeze %dma_start3A_233 : memref<1x128xf32, #tpu.memory_space<vmem>> -> memref<128xf32, #tpu.memory_space<vmem>>
      %dma_start3A_235 = arith.constant 0 : i32
      %dma_start3A_236 = tpu.memref_slice %arg7[%scan3A_209, %dma_start3A_235] : memref<80x128xi32, #tpu.memory_space<vmem>> -> memref<1x128xi32, #tpu.memory_space<vmem>>
      %dma_start3A_237 = tpu.memref_squeeze %dma_start3A_236 : memref<1x128xi32, #tpu.memory_space<vmem>> -> memref<128xi32, #tpu.memory_space<vmem>>
      %dma_start3A_238 = arith.constant 0 : i32
      %dma_start3A_239 = tpu.memref_slice %arg14[%dma_start3A_238] : memref<10240xf32, #tpu.memory_space<vmem_shared>> -> memref<10240xf32, #tpu.memory_space<vmem_shared>>
      tpu.enqueue_indirect_dma source(%dma_start3A_234 : memref<128xf32, #tpu.memory_space<vmem>>) target(%dma_start3A_239 : memref<10240xf32, #tpu.memory_space<vmem_shared>>) offsets(%dma_start3A_237 : memref<128xi32, #tpu.memory_space<vmem>>) semaphore(%arg12 : memref<!tpu.dma_semaphore, #tpu.memory_space<semaphore_mem>>) {add = true}
    }
    %scan3A_185 = arith.constant 80 : i32
    %scan3A_186 = arith.constant 0 : i32
    %scan3A_187 = arith.constant 0 : i32
    %scan3A_188 = arith.constant 80 : i32
    %scan3A_189 = arith.addi %scan3A_187, %scan3A_188 : i32
    %scan3A_190 = arith.constant 1 : i32
    scf.for %scan3A_209 = %scan3A_187 to %scan3A_189 step %scan3A_190  : i32 {
      %dma_wait3A = arith.constant 0 : i32
      %dma_wait3A_210 = tpu.memref_slice %arg8[%scan3A_209, %dma_wait3A] : memref<80x128xf32, #tpu.memory_space<vmem>> -> memref<1x128xf32, #tpu.memory_space<vmem>>
      %dma_wait3A_211 = tpu.memref_squeeze %dma_wait3A_210 : memref<1x128xf32, #tpu.memory_space<vmem>> -> memref<128xf32, #tpu.memory_space<vmem>>
      %dma_wait3A_212 = arith.constant 0 : i32
      %dma_wait3A_213 = tpu.memref_slice %arg7[%scan3A_209, %dma_wait3A_212] : memref<80x128xi32, #tpu.memory_space<vmem>> -> memref<1x128xi32, #tpu.memory_space<vmem>>
      %dma_wait3A_214 = tpu.memref_squeeze %dma_wait3A_213 : memref<1x128xi32, #tpu.memory_space<vmem>> -> memref<128xi32, #tpu.memory_space<vmem>>
      %dma_wait3A_215 = arith.constant 0 : i32
      %dma_wait3A_216 = tpu.memref_slice %arg13[%dma_wait3A_215] : memref<10240xf32, #tpu.memory_space<vmem_shared>> -> memref<10240xf32, #tpu.memory_space<vmem_shared>>
      tpu.wait_indirect_dma semaphore(%arg12 : memref<!tpu.dma_semaphore, #tpu.memory_space<semaphore_mem>>) src(%dma_wait3A_211 : memref<128xf32, #tpu.memory_space<vmem>>) dst(%dma_wait3A_216 : memref<10240xf32, #tpu.memory_space<vmem_shared>>)
      %dma_wait3A_217 = arith.constant 0 : i32
      %dma_wait3A_218 = tpu.memref_slice %arg9[%scan3A_209, %dma_wait3A_217] : memref<80x128xf32, #tpu.memory_space<vmem>> -> memref<1x128xf32, #tpu.memory_space<vmem>>
      %dma_wait3A_219 = tpu.memref_squeeze %dma_wait3A_218 : memref<1x128xf32, #tpu.memory_space<vmem>> -> memref<128xf32, #tpu.memory_space<vmem>>
      %dma_wait3A_220 = arith.constant 0 : i32
      %dma_wait3A_221 = tpu.memref_slice %arg7[%scan3A_209, %dma_wait3A_220] : memref<80x128xi32, #tpu.memory_space<vmem>> -> memref<1x128xi32, #tpu.memory_space<vmem>>
      %dma_wait3A_222 = tpu.memref_squeeze %dma_wait3A_221 : memref<1x128xi32, #tpu.memory_space<vmem>> -> memref<128xi32, #tpu.memory_space<vmem>>
      %dma_wait3A_223 = arith.constant 0 : i32
      %dma_wait3A_224 = tpu.memref_slice %arg14[%dma_wait3A_223] : memref<10240xf32, #tpu.memory_space<vmem_shared>> -> memref<10240xf32, #tpu.memory_space<vmem_shared>>
      tpu.wait_indirect_dma semaphore(%arg12 : memref<!tpu.dma_semaphore, #tpu.memory_space<semaphore_mem>>) src(%dma_wait3A_219 : memref<128xf32, #tpu.memory_space<vmem>>) dst(%dma_wait3A_224 : memref<10240xf32, #tpu.memory_space<vmem_shared>>)
    }
    %scan3A_191 = arith.constant 80 : i32
    %barrier3A_192 = arith.constant 0 : index
    tpu.barrier barrier_id(%barrier3A_192)
    %mul3A_193 = arith.constant 640 : i32
    %mul3A_194 = arith.muli %arg1, %mul3A_193 : i32
    %mul3A_195 = arith.constant 20480 : i32
    %mul3A_196 = arith.muli %arg0, %mul3A_195 : i32
    %mul3A_197 = arith.constant 640 : i32
    %mul3A_198 = arith.muli %arg1, %mul3A_197 : i32
    %add3A_199 = arith.addi %mul3A_196, %mul3A_198 : i32
    "tpu.region"() ({
      %run_scoped3A = tpu.sem_alloc : memref<!tpu.dma_semaphore, #tpu.memory_space<semaphore_mem>>
      %dma_start3A = tpu.memref_slice %arg5[%add3A_199] : memref<40960xf32, #tpu.memory_space<hbm>> -> memref<640xf32, #tpu.memory_space<hbm>>
      %dma_start3A_209 = tpu.memref_slice %arg13[%mul3A_194] : memref<10240xf32, #tpu.memory_space<vmem_shared>> -> memref<640xf32, #tpu.memory_space<vmem_shared>>
      tpu.enqueue_dma source(%dma_start3A_209 : memref<640xf32, #tpu.memory_space<vmem_shared>>) target(%dma_start3A : memref<640xf32, #tpu.memory_space<hbm>>) target_semaphore(%run_scoped3A : memref<!tpu.dma_semaphore, #tpu.memory_space<semaphore_mem>>)
      %dma_wait3A = tpu.memref_slice %arg5[%add3A_199] : memref<40960xf32, #tpu.memory_space<hbm>> -> memref<640xf32, #tpu.memory_space<hbm>>
      %dma_wait3A_210 = tpu.memref_slice %arg13[%mul3A_194] : memref<10240xf32, #tpu.memory_space<vmem_shared>> -> memref<640xf32, #tpu.memory_space<vmem_shared>>
      tpu.wait_dma2 semaphore(%run_scoped3A : memref<!tpu.dma_semaphore, #tpu.memory_space<semaphore_mem>>) src(%dma_wait3A_210 : memref<640xf32, #tpu.memory_space<vmem_shared>>) dst(%dma_wait3A : memref<640xf32, #tpu.memory_space<hbm>>)
      tpu.yield
    }) : () -> ()
    %mul3A_200 = arith.constant 640 : i32
    %mul3A_201 = arith.muli %arg1, %mul3A_200 : i32
    %mul3A_202 = arith.constant 20480 : i32
    %mul3A_203 = arith.muli %arg0, %mul3A_202 : i32
    %add3A_204 = arith.constant 10240 : i32
    %add3A_205 = arith.addi %mul3A_203, %add3A_204 : i32
    %mul3A_206 = arith.constant 640 : i32
    %mul3A_207 = arith.muli %arg1, %mul3A_206 : i32
    %add3A_208 = arith.addi %add3A_205, %mul3A_207 : i32
    "tpu.region"() ({
      %run_scoped3A = tpu.sem_alloc : memref<!tpu.dma_semaphore, #tpu.memory_space<semaphore_mem>>
      %dma_start3A = tpu.memref_slice %arg5[%add3A_208] : memref<40960xf32, #tpu.memory_space<hbm>> -> memref<640xf32, #tpu.memory_space<hbm>>
      %dma_start3A_209 = tpu.memref_slice %arg14[%mul3A_201] : memref<10240xf32, #tpu.memory_space<vmem_shared>> -> memref<640xf32, #tpu.memory_space<vmem_shared>>
      tpu.enqueue_dma source(%dma_start3A_209 : memref<640xf32, #tpu.memory_space<vmem_shared>>) target(%dma_start3A : memref<640xf32, #tpu.memory_space<hbm>>) target_semaphore(%run_scoped3A : memref<!tpu.dma_semaphore, #tpu.memory_space<semaphore_mem>>)
      %dma_wait3A = tpu.memref_slice %arg5[%add3A_208] : memref<40960xf32, #tpu.memory_space<hbm>> -> memref<640xf32, #tpu.memory_space<hbm>>
      %dma_wait3A_210 = tpu.memref_slice %arg14[%mul3A_201] : memref<10240xf32, #tpu.memory_space<vmem_shared>> -> memref<640xf32, #tpu.memory_space<vmem_shared>>
      tpu.wait_dma2 semaphore(%run_scoped3A : memref<!tpu.dma_semaphore, #tpu.memory_space<semaphore_mem>>) src(%dma_wait3A_210 : memref<640xf32, #tpu.memory_space<vmem_shared>>) dst(%dma_wait3A : memref<640xf32, #tpu.memory_space<hbm>>)
      tpu.yield
    }) : () -> ()
    return
  }
}

#map = affine_map<(d0, d1) -> (0, 0, 0)>
#map1 = affine_map<(d0, d1) -> (0)>
module attributes {stable_mosaic.version = 14 : i64} {
  func.func @_deg_kernel(%arg0: i32, %arg1: i32, %arg2: memref<32x80x128xi32, #tpu.memory_space<hbm>>, %arg3: memref<32x80x128xi32, #tpu.memory_space<hbm>>, %arg4: memref<40960xf32, #tpu.memory_space<hbm>>, %arg5: memref<80x128xi32, #tpu.memory_space<vmem>>, %arg6: memref<80x128xi32, #tpu.memory_space<vmem>>, %arg7: memref<128xf32, #tpu.memory_space<vmem>>, %arg8: memref<640xf32, #tpu.memory_space<vmem>>, %arg9: memref<!tpu.dma_semaphore, #tpu.memory_space<semaphore_mem>>, %arg10: memref<10240xf32, #tpu.memory_space<vmem_shared>>, %arg11: memref<10240xf32, #tpu.memory_space<vmem_shared>>) attributes {dimension_semantics = [#tpu.dimension_semantics<core_parallel>, #tpu.dimension_semantics<subcore_parallel>], iteration_bounds = array<i64: 2, 16>, scalar_prefetch = 0 : i64, scratch_operands = 7 : i64, tpu.core_type = #tpu.core_type<sc_vector_subcore>, window_params = [{transform_indices = #map}, {transform_indices = #map}, {transform_indices = #map1}]} {
    %mul3A = arith.constant 16 : i32
    %mul3A_0 = arith.muli %arg0, %mul3A : i32
    %add3A = arith.addi %mul3A_0, %arg1 : i32
    %broadcast_in_dim3A = arith.constant 1.000000e+00 : f32
    %broadcast_in_dim3A_1 = vector.broadcast %broadcast_in_dim3A : f32 to vector<16xf32>
    %swap3A = arith.constant 0 : index
    %swap3A_2 = tpu.vector_load %arg7[%swap3A] {strides = array<i32>} : memref<128xf32, #tpu.memory_space<vmem>>, vector<16xf32>,
    %swap3A_3 = vector.shape_cast %swap3A_2 : vector<16xf32> to vector<16xf32>
    %swap3A_4 = vector.shape_cast %broadcast_in_dim3A_1 : vector<16xf32> to vector<16xf32>
    tpu.vector_store %arg7[%swap3A], %swap3A_4 {strides = array<i32>} : memref<128xf32, #tpu.memory_space<vmem>>, vector<16xf32>,
    %swap3A_5 = arith.constant 16 : index
    %swap3A_6 = tpu.vector_load %arg7[%swap3A_5] {strides = array<i32>} : memref<128xf32, #tpu.memory_space<vmem>>, vector<16xf32>,
    %swap3A_7 = vector.shape_cast %swap3A_6 : vector<16xf32> to vector<16xf32>
    %swap3A_8 = vector.shape_cast %broadcast_in_dim3A_1 : vector<16xf32> to vector<16xf32>
    tpu.vector_store %arg7[%swap3A_5], %swap3A_8 {strides = array<i32>} : memref<128xf32, #tpu.memory_space<vmem>>, vector<16xf32>,
    %swap3A_9 = arith.constant 32 : index
    %swap3A_10 = tpu.vector_load %arg7[%swap3A_9] {strides = array<i32>} : memref<128xf32, #tpu.memory_space<vmem>>, vector<16xf32>,
    %swap3A_11 = vector.shape_cast %swap3A_10 : vector<16xf32> to vector<16xf32>
    %swap3A_12 = vector.shape_cast %broadcast_in_dim3A_1 : vector<16xf32> to vector<16xf32>
    tpu.vector_store %arg7[%swap3A_9], %swap3A_12 {strides = array<i32>} : memref<128xf32, #tpu.memory_space<vmem>>, vector<16xf32>,
    %swap3A_13 = arith.constant 48 : index
    %swap3A_14 = tpu.vector_load %arg7[%swap3A_13] {strides = array<i32>} : memref<128xf32, #tpu.memory_space<vmem>>, vector<16xf32>,
    %swap3A_15 = vector.shape_cast %swap3A_14 : vector<16xf32> to vector<16xf32>
    %swap3A_16 = vector.shape_cast %broadcast_in_dim3A_1 : vector<16xf32> to vector<16xf32>
    tpu.vector_store %arg7[%swap3A_13], %swap3A_16 {strides = array<i32>} : memref<128xf32, #tpu.memory_space<vmem>>, vector<16xf32>,
    %swap3A_17 = arith.constant 64 : index
    %swap3A_18 = tpu.vector_load %arg7[%swap3A_17] {strides = array<i32>} : memref<128xf32, #tpu.memory_space<vmem>>, vector<16xf32>,
    %swap3A_19 = vector.shape_cast %swap3A_18 : vector<16xf32> to vector<16xf32>
    %swap3A_20 = vector.shape_cast %broadcast_in_dim3A_1 : vector<16xf32> to vector<16xf32>
    tpu.vector_store %arg7[%swap3A_17], %swap3A_20 {strides = array<i32>} : memref<128xf32, #tpu.memory_space<vmem>>, vector<16xf32>,
    %swap3A_21 = arith.constant 80 : index
    %swap3A_22 = tpu.vector_load %arg7[%swap3A_21] {strides = array<i32>} : memref<128xf32, #tpu.memory_space<vmem>>, vector<16xf32>,
    %swap3A_23 = vector.shape_cast %swap3A_22 : vector<16xf32> to vector<16xf32>
    %swap3A_24 = vector.shape_cast %broadcast_in_dim3A_1 : vector<16xf32> to vector<16xf32>
    tpu.vector_store %arg7[%swap3A_21], %swap3A_24 {strides = array<i32>} : memref<128xf32, #tpu.memory_space<vmem>>, vector<16xf32>,
    %swap3A_25 = arith.constant 96 : index
    %swap3A_26 = tpu.vector_load %arg7[%swap3A_25] {strides = array<i32>} : memref<128xf32, #tpu.memory_space<vmem>>, vector<16xf32>,
    %swap3A_27 = vector.shape_cast %swap3A_26 : vector<16xf32> to vector<16xf32>
    %swap3A_28 = vector.shape_cast %broadcast_in_dim3A_1 : vector<16xf32> to vector<16xf32>
    tpu.vector_store %arg7[%swap3A_25], %swap3A_28 {strides = array<i32>} : memref<128xf32, #tpu.memory_space<vmem>>, vector<16xf32>,
    %swap3A_29 = arith.constant 112 : index
    %swap3A_30 = tpu.vector_load %arg7[%swap3A_29] {strides = array<i32>} : memref<128xf32, #tpu.memory_space<vmem>>, vector<16xf32>,
    %swap3A_31 = vector.shape_cast %swap3A_30 : vector<16xf32> to vector<16xf32>
    %swap3A_32 = vector.shape_cast %broadcast_in_dim3A_1 : vector<16xf32> to vector<16xf32>
    tpu.vector_store %arg7[%swap3A_29], %swap3A_32 {strides = array<i32>} : memref<128xf32, #tpu.memory_space<vmem>>, vector<16xf32>,
    %broadcast_in_dim3A_33 = arith.constant 0.000000e+00 : f32
    %broadcast_in_dim3A_34 = vector.broadcast %broadcast_in_dim3A_33 : f32 to vector<16xf32>
    %swap3A_35 = arith.constant 0 : index
    %swap3A_36 = tpu.vector_load %arg8[%swap3A_35] {strides = array<i32>} : memref<640xf32, #tpu.memory_space<vmem>>, vector<16xf32>,
    %swap3A_37 = vector.shape_cast %swap3A_36 : vector<16xf32> to vector<16xf32>
    %swap3A_38 = vector.shape_cast %broadcast_in_dim3A_34 : vector<16xf32> to vector<16xf32>
    tpu.vector_store %arg8[%swap3A_35], %swap3A_38 {strides = array<i32>} : memref<640xf32, #tpu.memory_space<vmem>>, vector<16xf32>,
    %swap3A_39 = arith.constant 16 : index
    %swap3A_40 = tpu.vector_load %arg8[%swap3A_39] {strides = array<i32>} : memref<640xf32, #tpu.memory_space<vmem>>, vector<16xf32>,
    %swap3A_41 = vector.shape_cast %swap3A_40 : vector<16xf32> to vector<16xf32>
    %swap3A_42 = vector.shape_cast %broadcast_in_dim3A_34 : vector<16xf32> to vector<16xf32>
    tpu.vector_store %arg8[%swap3A_39], %swap3A_42 {strides = array<i32>} : memref<640xf32, #tpu.memory_space<vmem>>, vector<16xf32>,
    %swap3A_43 = arith.constant 32 : index
    %swap3A_44 = tpu.vector_load %arg8[%swap3A_43] {strides = array<i32>} : memref<640xf32, #tpu.memory_space<vmem>>, vector<16xf32>,
    %swap3A_45 = vector.shape_cast %swap3A_44 : vector<16xf32> to vector<16xf32>
    %swap3A_46 = vector.shape_cast %broadcast_in_dim3A_34 : vector<16xf32> to vector<16xf32>
    tpu.vector_store %arg8[%swap3A_43], %swap3A_46 {strides = array<i32>} : memref<640xf32, #tpu.memory_space<vmem>>, vector<16xf32>,
    %swap3A_47 = arith.constant 48 : index
    %swap3A_48 = tpu.vector_load %arg8[%swap3A_47] {strides = array<i32>} : memref<640xf32, #tpu.memory_space<vmem>>, vector<16xf32>,
    %swap3A_49 = vector.shape_cast %swap3A_48 : vector<16xf32> to vector<16xf32>
    %swap3A_50 = vector.shape_cast %broadcast_in_dim3A_34 : vector<16xf32> to vector<16xf32>
    tpu.vector_store %arg8[%swap3A_47], %swap3A_50 {strides = array<i32>} : memref<640xf32, #tpu.memory_space<vmem>>, vector<16xf32>,
    %swap3A_51 = arith.constant 64 : index
    %swap3A_52 = tpu.vector_load %arg8[%swap3A_51] {strides = array<i32>} : memref<640xf32, #tpu.memory_space<vmem>>, vector<16xf32>,
    %swap3A_53 = vector.shape_cast %swap3A_52 : vector<16xf32> to vector<16xf32>
    %swap3A_54 = vector.shape_cast %broadcast_in_dim3A_34 : vector<16xf32> to vector<16xf32>
    tpu.vector_store %arg8[%swap3A_51], %swap3A_54 {strides = array<i32>} : memref<640xf32, #tpu.memory_space<vmem>>, vector<16xf32>,
    %swap3A_55 = arith.constant 80 : index
    %swap3A_56 = tpu.vector_load %arg8[%swap3A_55] {strides = array<i32>} : memref<640xf32, #tpu.memory_space<vmem>>, vector<16xf32>,
    %swap3A_57 = vector.shape_cast %swap3A_56 : vector<16xf32> to vector<16xf32>
    %swap3A_58 = vector.shape_cast %broadcast_in_dim3A_34 : vector<16xf32> to vector<16xf32>
    tpu.vector_store %arg8[%swap3A_55], %swap3A_58 {strides = array<i32>} : memref<640xf32, #tpu.memory_space<vmem>>, vector<16xf32>,
    %swap3A_59 = arith.constant 96 : index
    %swap3A_60 = tpu.vector_load %arg8[%swap3A_59] {strides = array<i32>} : memref<640xf32, #tpu.memory_space<vmem>>, vector<16xf32>,
    %swap3A_61 = vector.shape_cast %swap3A_60 : vector<16xf32> to vector<16xf32>
    %swap3A_62 = vector.shape_cast %broadcast_in_dim3A_34 : vector<16xf32> to vector<16xf32>
    tpu.vector_store %arg8[%swap3A_59], %swap3A_62 {strides = array<i32>} : memref<640xf32, #tpu.memory_space<vmem>>, vector<16xf32>,
    %swap3A_63 = arith.constant 112 : index
    %swap3A_64 = tpu.vector_load %arg8[%swap3A_63] {strides = array<i32>} : memref<640xf32, #tpu.memory_space<vmem>>, vector<16xf32>,
    %swap3A_65 = vector.shape_cast %swap3A_64 : vector<16xf32> to vector<16xf32>
    %swap3A_66 = vector.shape_cast %broadcast_in_dim3A_34 : vector<16xf32> to vector<16xf32>
    tpu.vector_store %arg8[%swap3A_63], %swap3A_66 {strides = array<i32>} : memref<640xf32, #tpu.memory_space<vmem>>, vector<16xf32>,
    %swap3A_67 = arith.constant 128 : index
    %swap3A_68 = tpu.vector_load %arg8[%swap3A_67] {strides = array<i32>} : memref<640xf32, #tpu.memory_space<vmem>>, vector<16xf32>,
    %swap3A_69 = vector.shape_cast %swap3A_68 : vector<16xf32> to vector<16xf32>
    %swap3A_70 = vector.shape_cast %broadcast_in_dim3A_34 : vector<16xf32> to vector<16xf32>
    tpu.vector_store %arg8[%swap3A_67], %swap3A_70 {strides = array<i32>} : memref<640xf32, #tpu.memory_space<vmem>>, vector<16xf32>,
    %swap3A_71 = arith.constant 144 : index
    %swap3A_72 = tpu.vector_load %arg8[%swap3A_71] {strides = array<i32>} : memref<640xf32, #tpu.memory_space<vmem>>, vector<16xf32>,
    %swap3A_73 = vector.shape_cast %swap3A_72 : vector<16xf32> to vector<16xf32>
    %swap3A_74 = vector.shape_cast %broadcast_in_dim3A_34 : vector<16xf32> to vector<16xf32>
    tpu.vector_store %arg8[%swap3A_71], %swap3A_74 {strides = array<i32>} : memref<640xf32, #tpu.memory_space<vmem>>, vector<16xf32>,
    %swap3A_75 = arith.constant 160 : index
    %swap3A_76 = tpu.vector_load %arg8[%swap3A_75] {strides = array<i32>} : memref<640xf32, #tpu.memory_space<vmem>>, vector<16xf32>,
    %swap3A_77 = vector.shape_cast %swap3A_76 : vector<16xf32> to vector<16xf32>
    %swap3A_78 = vector.shape_cast %broadcast_in_dim3A_34 : vector<16xf32> to vector<16xf32>
    tpu.vector_store %arg8[%swap3A_75], %swap3A_78 {strides = array<i32>} : memref<640xf32, #tpu.memory_space<vmem>>, vector<16xf32>,
    %swap3A_79 = arith.constant 176 : index
    %swap3A_80 = tpu.vector_load %arg8[%swap3A_79] {strides = array<i32>} : memref<640xf32, #tpu.memory_space<vmem>>, vector<16xf32>,
    %swap3A_81 = vector.shape_cast %swap3A_80 : vector<16xf32> to vector<16xf32>
    %swap3A_82 = vector.shape_cast %broadcast_in_dim3A_34 : vector<16xf32> to vector<16xf32>
    tpu.vector_store %arg8[%swap3A_79], %swap3A_82 {strides = array<i32>} : memref<640xf32, #tpu.memory_space<vmem>>, vector<16xf32>,
    %swap3A_83 = arith.constant 192 : index
    %swap3A_84 = tpu.vector_load %arg8[%swap3A_83] {strides = array<i32>} : memref<640xf32, #tpu.memory_space<vmem>>, vector<16xf32>,
    %swap3A_85 = vector.shape_cast %swap3A_84 : vector<16xf32> to vector<16xf32>
    %swap3A_86 = vector.shape_cast %broadcast_in_dim3A_34 : vector<16xf32> to vector<16xf32>
    tpu.vector_store %arg8[%swap3A_83], %swap3A_86 {strides = array<i32>} : memref<640xf32, #tpu.memory_space<vmem>>, vector<16xf32>,
    %swap3A_87 = arith.constant 208 : index
    %swap3A_88 = tpu.vector_load %arg8[%swap3A_87] {strides = array<i32>} : memref<640xf32, #tpu.memory_space<vmem>>, vector<16xf32>,
    %swap3A_89 = vector.shape_cast %swap3A_88 : vector<16xf32> to vector<16xf32>
    %swap3A_90 = vector.shape_cast %broadcast_in_dim3A_34 : vector<16xf32> to vector<16xf32>
    tpu.vector_store %arg8[%swap3A_87], %swap3A_90 {strides = array<i32>} : memref<640xf32, #tpu.memory_space<vmem>>, vector<16xf32>,
    %swap3A_91 = arith.constant 224 : index
    %swap3A_92 = tpu.vector_load %arg8[%swap3A_91] {strides = array<i32>} : memref<640xf32, #tpu.memory_space<vmem>>, vector<16xf32>,
    %swap3A_93 = vector.shape_cast %swap3A_92 : vector<16xf32> to vector<16xf32>
    %swap3A_94 = vector.shape_cast %broadcast_in_dim3A_34 : vector<16xf32> to vector<16xf32>
    tpu.vector_store %arg8[%swap3A_91], %swap3A_94 {strides = array<i32>} : memref<640xf32, #tpu.memory_space<vmem>>, vector<16xf32>,
    %swap3A_95 = arith.constant 240 : index
    %swap3A_96 = tpu.vector_load %arg8[%swap3A_95] {strides = array<i32>} : memref<640xf32, #tpu.memory_space<vmem>>, vector<16xf32>,
    %swap3A_97 = vector.shape_cast %swap3A_96 : vector<16xf32> to vector<16xf32>
    %swap3A_98 = vector.shape_cast %broadcast_in_dim3A_34 : vector<16xf32> to vector<16xf32>
    tpu.vector_store %arg8[%swap3A_95], %swap3A_98 {strides = array<i32>} : memref<640xf32, #tpu.memory_space<vmem>>, vector<16xf32>,
    %swap3A_99 = arith.constant 256 : index
    %swap3A_100 = tpu.vector_load %arg8[%swap3A_99] {strides = array<i32>} : memref<640xf32, #tpu.memory_space<vmem>>, vector<16xf32>,
    %swap3A_101 = vector.shape_cast %swap3A_100 : vector<16xf32> to vector<16xf32>
    %swap3A_102 = vector.shape_cast %broadcast_in_dim3A_34 : vector<16xf32> to vector<16xf32>
    tpu.vector_store %arg8[%swap3A_99], %swap3A_102 {strides = array<i32>} : memref<640xf32, #tpu.memory_space<vmem>>, vector<16xf32>,
    %swap3A_103 = arith.constant 272 : index
    %swap3A_104 = tpu.vector_load %arg8[%swap3A_103] {strides = array<i32>} : memref<640xf32, #tpu.memory_space<vmem>>, vector<16xf32>,
    %swap3A_105 = vector.shape_cast %swap3A_104 : vector<16xf32> to vector<16xf32>
    %swap3A_106 = vector.shape_cast %broadcast_in_dim3A_34 : vector<16xf32> to vector<16xf32>
    tpu.vector_store %arg8[%swap3A_103], %swap3A_106 {strides = array<i32>} : memref<640xf32, #tpu.memory_space<vmem>>, vector<16xf32>,
    %swap3A_107 = arith.constant 288 : index
    %swap3A_108 = tpu.vector_load %arg8[%swap3A_107] {strides = array<i32>} : memref<640xf32, #tpu.memory_space<vmem>>, vector<16xf32>,
    %swap3A_109 = vector.shape_cast %swap3A_108 : vector<16xf32> to vector<16xf32>
    %swap3A_110 = vector.shape_cast %broadcast_in_dim3A_34 : vector<16xf32> to vector<16xf32>
    tpu.vector_store %arg8[%swap3A_107], %swap3A_110 {strides = array<i32>} : memref<640xf32, #tpu.memory_space<vmem>>, vector<16xf32>,
    %swap3A_111 = arith.constant 304 : index
    %swap3A_112 = tpu.vector_load %arg8[%swap3A_111] {strides = array<i32>} : memref<640xf32, #tpu.memory_space<vmem>>, vector<16xf32>,
    %swap3A_113 = vector.shape_cast %swap3A_112 : vector<16xf32> to vector<16xf32>
    %swap3A_114 = vector.shape_cast %broadcast_in_dim3A_34 : vector<16xf32> to vector<16xf32>
    tpu.vector_store %arg8[%swap3A_111], %swap3A_114 {strides = array<i32>} : memref<640xf32, #tpu.memory_space<vmem>>, vector<16xf32>,
    %swap3A_115 = arith.constant 320 : index
    %swap3A_116 = tpu.vector_load %arg8[%swap3A_115] {strides = array<i32>} : memref<640xf32, #tpu.memory_space<vmem>>, vector<16xf32>,
    %swap3A_117 = vector.shape_cast %swap3A_116 : vector<16xf32> to vector<16xf32>
    %swap3A_118 = vector.shape_cast %broadcast_in_dim3A_34 : vector<16xf32> to vector<16xf32>
    tpu.vector_store %arg8[%swap3A_115], %swap3A_118 {strides = array<i32>} : memref<640xf32, #tpu.memory_space<vmem>>, vector<16xf32>,
    %swap3A_119 = arith.constant 336 : index
    %swap3A_120 = tpu.vector_load %arg8[%swap3A_119] {strides = array<i32>} : memref<640xf32, #tpu.memory_space<vmem>>, vector<16xf32>,
    %swap3A_121 = vector.shape_cast %swap3A_120 : vector<16xf32> to vector<16xf32>
    %swap3A_122 = vector.shape_cast %broadcast_in_dim3A_34 : vector<16xf32> to vector<16xf32>
    tpu.vector_store %arg8[%swap3A_119], %swap3A_122 {strides = array<i32>} : memref<640xf32, #tpu.memory_space<vmem>>, vector<16xf32>,
    %swap3A_123 = arith.constant 352 : index
    %swap3A_124 = tpu.vector_load %arg8[%swap3A_123] {strides = array<i32>} : memref<640xf32, #tpu.memory_space<vmem>>, vector<16xf32>,
    %swap3A_125 = vector.shape_cast %swap3A_124 : vector<16xf32> to vector<16xf32>
    %swap3A_126 = vector.shape_cast %broadcast_in_dim3A_34 : vector<16xf32> to vector<16xf32>
    tpu.vector_store %arg8[%swap3A_123], %swap3A_126 {strides = array<i32>} : memref<640xf32, #tpu.memory_space<vmem>>, vector<16xf32>,
    %swap3A_127 = arith.constant 368 : index
    %swap3A_128 = tpu.vector_load %arg8[%swap3A_127] {strides = array<i32>} : memref<640xf32, #tpu.memory_space<vmem>>, vector<16xf32>,
    %swap3A_129 = vector.shape_cast %swap3A_128 : vector<16xf32> to vector<16xf32>
    %swap3A_130 = vector.shape_cast %broadcast_in_dim3A_34 : vector<16xf32> to vector<16xf32>
    tpu.vector_store %arg8[%swap3A_127], %swap3A_130 {strides = array<i32>} : memref<640xf32, #tpu.memory_space<vmem>>, vector<16xf32>,
    %swap3A_131 = arith.constant 384 : index
    %swap3A_132 = tpu.vector_load %arg8[%swap3A_131] {strides = array<i32>} : memref<640xf32, #tpu.memory_space<vmem>>, vector<16xf32>,
    %swap3A_133 = vector.shape_cast %swap3A_132 : vector<16xf32> to vector<16xf32>
    %swap3A_134 = vector.shape_cast %broadcast_in_dim3A_34 : vector<16xf32> to vector<16xf32>
    tpu.vector_store %arg8[%swap3A_131], %swap3A_134 {strides = array<i32>} : memref<640xf32, #tpu.memory_space<vmem>>, vector<16xf32>,
    %swap3A_135 = arith.constant 400 : index
    %swap3A_136 = tpu.vector_load %arg8[%swap3A_135] {strides = array<i32>} : memref<640xf32, #tpu.memory_space<vmem>>, vector<16xf32>,
    %swap3A_137 = vector.shape_cast %swap3A_136 : vector<16xf32> to vector<16xf32>
    %swap3A_138 = vector.shape_cast %broadcast_in_dim3A_34 : vector<16xf32> to vector<16xf32>
    tpu.vector_store %arg8[%swap3A_135], %swap3A_138 {strides = array<i32>} : memref<640xf32, #tpu.memory_space<vmem>>, vector<16xf32>,
    %swap3A_139 = arith.constant 416 : index
    %swap3A_140 = tpu.vector_load %arg8[%swap3A_139] {strides = array<i32>} : memref<640xf32, #tpu.memory_space<vmem>>, vector<16xf32>,
    %swap3A_141 = vector.shape_cast %swap3A_140 : vector<16xf32> to vector<16xf32>
    %swap3A_142 = vector.shape_cast %broadcast_in_dim3A_34 : vector<16xf32> to vector<16xf32>
    tpu.vector_store %arg8[%swap3A_139], %swap3A_142 {strides = array<i32>} : memref<640xf32, #tpu.memory_space<vmem>>, vector<16xf32>,
    %swap3A_143 = arith.constant 432 : index
    %swap3A_144 = tpu.vector_load %arg8[%swap3A_143] {strides = array<i32>} : memref<640xf32, #tpu.memory_space<vmem>>, vector<16xf32>,
    %swap3A_145 = vector.shape_cast %swap3A_144 : vector<16xf32> to vector<16xf32>
    %swap3A_146 = vector.shape_cast %broadcast_in_dim3A_34 : vector<16xf32> to vector<16xf32>
    tpu.vector_store %arg8[%swap3A_143], %swap3A_146 {strides = array<i32>} : memref<640xf32, #tpu.memory_space<vmem>>, vector<16xf32>,
    %swap3A_147 = arith.constant 448 : index
    %swap3A_148 = tpu.vector_load %arg8[%swap3A_147] {strides = array<i32>} : memref<640xf32, #tpu.memory_space<vmem>>, vector<16xf32>,
    %swap3A_149 = vector.shape_cast %swap3A_148 : vector<16xf32> to vector<16xf32>
    %swap3A_150 = vector.shape_cast %broadcast_in_dim3A_34 : vector<16xf32> to vector<16xf32>
    tpu.vector_store %arg8[%swap3A_147], %swap3A_150 {strides = array<i32>} : memref<640xf32, #tpu.memory_space<vmem>>, vector<16xf32>,
    %swap3A_151 = arith.constant 464 : index
    %swap3A_152 = tpu.vector_load %arg8[%swap3A_151] {strides = array<i32>} : memref<640xf32, #tpu.memory_space<vmem>>, vector<16xf32>,
    %swap3A_153 = vector.shape_cast %swap3A_152 : vector<16xf32> to vector<16xf32>
    %swap3A_154 = vector.shape_cast %broadcast_in_dim3A_34 : vector<16xf32> to vector<16xf32>
    tpu.vector_store %arg8[%swap3A_151], %swap3A_154 {strides = array<i32>} : memref<640xf32, #tpu.memory_space<vmem>>, vector<16xf32>,
    %swap3A_155 = arith.constant 480 : index
    %swap3A_156 = tpu.vector_load %arg8[%swap3A_155] {strides = array<i32>} : memref<640xf32, #tpu.memory_space<vmem>>, vector<16xf32>,
    %swap3A_157 = vector.shape_cast %swap3A_156 : vector<16xf32> to vector<16xf32>
    %swap3A_158 = vector.shape_cast %broadcast_in_dim3A_34 : vector<16xf32> to vector<16xf32>
    tpu.vector_store %arg8[%swap3A_155], %swap3A_158 {strides = array<i32>} : memref<640xf32, #tpu.memory_space<vmem>>, vector<16xf32>,
    %swap3A_159 = arith.constant 496 : index
    %swap3A_160 = tpu.vector_load %arg8[%swap3A_159] {strides = array<i32>} : memref<640xf32, #tpu.memory_space<vmem>>, vector<16xf32>,
    %swap3A_161 = vector.shape_cast %swap3A_160 : vector<16xf32> to vector<16xf32>
    %swap3A_162 = vector.shape_cast %broadcast_in_dim3A_34 : vector<16xf32> to vector<16xf32>
    tpu.vector_store %arg8[%swap3A_159], %swap3A_162 {strides = array<i32>} : memref<640xf32, #tpu.memory_space<vmem>>, vector<16xf32>,
    %swap3A_163 = arith.constant 512 : index
    %swap3A_164 = tpu.vector_load %arg8[%swap3A_163] {strides = array<i32>} : memref<640xf32, #tpu.memory_space<vmem>>, vector<16xf32>,
    %swap3A_165 = vector.shape_cast %swap3A_164 : vector<16xf32> to vector<16xf32>
    %swap3A_166 = vector.shape_cast %broadcast_in_dim3A_34 : vector<16xf32> to vector<16xf32>
    tpu.vector_store %arg8[%swap3A_163], %swap3A_166 {strides = array<i32>} : memref<640xf32, #tpu.memory_space<vmem>>, vector<16xf32>,
    %swap3A_167 = arith.constant 528 : index
    %swap3A_168 = tpu.vector_load %arg8[%swap3A_167] {strides = array<i32>} : memref<640xf32, #tpu.memory_space<vmem>>, vector<16xf32>,
    %swap3A_169 = vector.shape_cast %swap3A_168 : vector<16xf32> to vector<16xf32>
    %swap3A_170 = vector.shape_cast %broadcast_in_dim3A_34 : vector<16xf32> to vector<16xf32>
    tpu.vector_store %arg8[%swap3A_167], %swap3A_170 {strides = array<i32>} : memref<640xf32, #tpu.memory_space<vmem>>, vector<16xf32>,
    %swap3A_171 = arith.constant 544 : index
    %swap3A_172 = tpu.vector_load %arg8[%swap3A_171] {strides = array<i32>} : memref<640xf32, #tpu.memory_space<vmem>>, vector<16xf32>,
    %swap3A_173 = vector.shape_cast %swap3A_172 : vector<16xf32> to vector<16xf32>
    %swap3A_174 = vector.shape_cast %broadcast_in_dim3A_34 : vector<16xf32> to vector<16xf32>
    tpu.vector_store %arg8[%swap3A_171], %swap3A_174 {strides = array<i32>} : memref<640xf32, #tpu.memory_space<vmem>>, vector<16xf32>,
    %swap3A_175 = arith.constant 560 : index
    %swap3A_176 = tpu.vector_load %arg8[%swap3A_175] {strides = array<i32>} : memref<640xf32, #tpu.memory_space<vmem>>, vector<16xf32>,
    %swap3A_177 = vector.shape_cast %swap3A_176 : vector<16xf32> to vector<16xf32>
    %swap3A_178 = vector.shape_cast %broadcast_in_dim3A_34 : vector<16xf32> to vector<16xf32>
    tpu.vector_store %arg8[%swap3A_175], %swap3A_178 {strides = array<i32>} : memref<640xf32, #tpu.memory_space<vmem>>, vector<16xf32>,
    %swap3A_179 = arith.constant 576 : index
    %swap3A_180 = tpu.vector_load %arg8[%swap3A_179] {strides = array<i32>} : memref<640xf32, #tpu.memory_space<vmem>>, vector<16xf32>,
    %swap3A_181 = vector.shape_cast %swap3A_180 : vector<16xf32> to vector<16xf32>
    %swap3A_182 = vector.shape_cast %broadcast_in_dim3A_34 : vector<16xf32> to vector<16xf32>
    tpu.vector_store %arg8[%swap3A_179], %swap3A_182 {strides = array<i32>} : memref<640xf32, #tpu.memory_space<vmem>>, vector<16xf32>,
    %swap3A_183 = arith.constant 592 : index
    %swap3A_184 = tpu.vector_load %arg8[%swap3A_183] {strides = array<i32>} : memref<640xf32, #tpu.memory_space<vmem>>, vector<16xf32>,
    %swap3A_185 = vector.shape_cast %swap3A_184 : vector<16xf32> to vector<16xf32>
    %swap3A_186 = vector.shape_cast %broadcast_in_dim3A_34 : vector<16xf32> to vector<16xf32>
    tpu.vector_store %arg8[%swap3A_183], %swap3A_186 {strides = array<i32>} : memref<640xf32, #tpu.memory_space<vmem>>, vector<16xf32>,
    %swap3A_187 = arith.constant 608 : index
    %swap3A_188 = tpu.vector_load %arg8[%swap3A_187] {strides = array<i32>} : memref<640xf32, #tpu.memory_space<vmem>>, vector<16xf32>,
    %swap3A_189 = vector.shape_cast %swap3A_188 : vector<16xf32> to vector<16xf32>
    %swap3A_190 = vector.shape_cast %broadcast_in_dim3A_34 : vector<16xf32> to vector<16xf32>
    tpu.vector_store %arg8[%swap3A_187], %swap3A_190 {strides = array<i32>} : memref<640xf32, #tpu.memory_space<vmem>>, vector<16xf32>,
    %swap3A_191 = arith.constant 624 : index
    %swap3A_192 = tpu.vector_load %arg8[%swap3A_191] {strides = array<i32>} : memref<640xf32, #tpu.memory_space<vmem>>, vector<16xf32>,
    %swap3A_193 = vector.shape_cast %swap3A_192 : vector<16xf32> to vector<16xf32>
    %swap3A_194 = vector.shape_cast %broadcast_in_dim3A_34 : vector<16xf32> to vector<16xf32>
    tpu.vector_store %arg8[%swap3A_191], %swap3A_194 {strides = array<i32>} : memref<640xf32, #tpu.memory_space<vmem>>, vector<16xf32>,
    %mul3A_195 = arith.constant 640 : i32
    %mul3A_196 = arith.muli %arg1, %mul3A_195 : i32
    "tpu.region"() ({
      %run_scoped3A = tpu.sem_alloc : memref<!tpu.dma_semaphore, #tpu.memory_space<semaphore_mem>>
      %dma_start3A = tpu.memref_slice %arg10[%mul3A_196] : memref<10240xf32, #tpu.memory_space<vmem_shared>> -> memref<640xf32, #tpu.memory_space<vmem_shared>>
      %dma_start3A_227 = tpu.memref_slice %arg10[%mul3A_196] : memref<10240xf32, #tpu.memory_space<vmem_shared>> -> memref<640xf32, #tpu.memory_space<vmem_shared>>
      tpu.enqueue_dma source(%arg8 : memref<640xf32, #tpu.memory_space<vmem>>) target(%dma_start3A_227 : memref<640xf32, #tpu.memory_space<vmem_shared>>) target_semaphore(%run_scoped3A : memref<!tpu.dma_semaphore, #tpu.memory_space<semaphore_mem>>)
      %dma_wait3A = tpu.memref_slice %arg10[%mul3A_196] : memref<10240xf32, #tpu.memory_space<vmem_shared>> -> memref<640xf32, #tpu.memory_space<vmem_shared>>
      %dma_wait3A_228 = tpu.memref_slice %arg10[%mul3A_196] : memref<10240xf32, #tpu.memory_space<vmem_shared>> -> memref<640xf32, #tpu.memory_space<vmem_shared>>
      tpu.wait_dma2 semaphore(%run_scoped3A : memref<!tpu.dma_semaphore, #tpu.memory_space<semaphore_mem>>) src(%arg8 : memref<640xf32, #tpu.memory_space<vmem>>) dst(%dma_wait3A_228 : memref<640xf32, #tpu.memory_space<vmem_shared>>)
      tpu.yield
    }) : () -> ()
    %mul3A_197 = arith.constant 640 : i32
    %mul3A_198 = arith.muli %arg1, %mul3A_197 : i32
    "tpu.region"() ({
      %run_scoped3A = tpu.sem_alloc : memref<!tpu.dma_semaphore, #tpu.memory_space<semaphore_mem>>
      %dma_start3A = tpu.memref_slice %arg11[%mul3A_198] : memref<10240xf32, #tpu.memory_space<vmem_shared>> -> memref<640xf32, #tpu.memory_space<vmem_shared>>
      %dma_start3A_227 = tpu.memref_slice %arg11[%mul3A_198] : memref<10240xf32, #tpu.memory_space<vmem_shared>> -> memref<640xf32, #tpu.memory_space<vmem_shared>>
      tpu.enqueue_dma source(%arg8 : memref<640xf32, #tpu.memory_space<vmem>>) target(%dma_start3A_227 : memref<640xf32, #tpu.memory_space<vmem_shared>>) target_semaphore(%run_scoped3A : memref<!tpu.dma_semaphore, #tpu.memory_space<semaphore_mem>>)
      %dma_wait3A = tpu.memref_slice %arg11[%mul3A_198] : memref<10240xf32, #tpu.memory_space<vmem_shared>> -> memref<640xf32, #tpu.memory_space<vmem_shared>>
      %dma_wait3A_228 = tpu.memref_slice %arg11[%mul3A_198] : memref<10240xf32, #tpu.memory_space<vmem_shared>> -> memref<640xf32, #tpu.memory_space<vmem_shared>>
      tpu.wait_dma2 semaphore(%run_scoped3A : memref<!tpu.dma_semaphore, #tpu.memory_space<semaphore_mem>>) src(%arg8 : memref<640xf32, #tpu.memory_space<vmem>>) dst(%dma_wait3A_228 : memref<640xf32, #tpu.memory_space<vmem_shared>>)
      tpu.yield
    }) : () -> ()
    "tpu.region"() ({
      %run_scoped3A = tpu.sem_alloc : memref<!tpu.dma_semaphore, #tpu.memory_space<semaphore_mem>>
      %dma_start3A = arith.constant 0 : i32
      %dma_start3A_227 = arith.constant 0 : i32
      %dma_start3A_228 = tpu.memref_slice %arg2[%add3A, %dma_start3A, %dma_start3A_227] : memref<32x80x128xi32, #tpu.memory_space<hbm>> -> memref<1x80x128xi32, #tpu.memory_space<hbm>>
      %dma_start3A_229 = tpu.memref_squeeze %dma_start3A_228 : memref<1x80x128xi32, #tpu.memory_space<hbm>> -> memref<80x128xi32, #tpu.memory_space<hbm>>
      %dma_start3A_230 = arith.constant 0 : i32
      %dma_start3A_231 = arith.constant 0 : i32
      %dma_start3A_232 = tpu.memref_slice %arg2[%add3A, %dma_start3A_230, %dma_start3A_231] : memref<32x80x128xi32, #tpu.memory_space<hbm>> -> memref<1x80x128xi32, #tpu.memory_space<hbm>>
      %dma_start3A_233 = tpu.memref_squeeze %dma_start3A_232 : memref<1x80x128xi32, #tpu.memory_space<hbm>> -> memref<80x128xi32, #tpu.memory_space<hbm>>
      tpu.enqueue_dma source(%dma_start3A_233 : memref<80x128xi32, #tpu.memory_space<hbm>>) target(%arg5 : memref<80x128xi32, #tpu.memory_space<vmem>>) target_semaphore(%run_scoped3A : memref<!tpu.dma_semaphore, #tpu.memory_space<semaphore_mem>>)
      %dma_wait3A = arith.constant 0 : i32
      %dma_wait3A_234 = arith.constant 0 : i32
      %dma_wait3A_235 = tpu.memref_slice %arg2[%add3A, %dma_wait3A, %dma_wait3A_234] : memref<32x80x128xi32, #tpu.memory_space<hbm>> -> memref<1x80x128xi32, #tpu.memory_space<hbm>>
      %dma_wait3A_236 = tpu.memref_squeeze %dma_wait3A_235 : memref<1x80x128xi32, #tpu.memory_space<hbm>> -> memref<80x128xi32, #tpu.memory_space<hbm>>
      %dma_wait3A_237 = arith.constant 0 : i32
      %dma_wait3A_238 = arith.constant 0 : i32
      %dma_wait3A_239 = tpu.memref_slice %arg2[%add3A, %dma_wait3A_237, %dma_wait3A_238] : memref<32x80x128xi32, #tpu.memory_space<hbm>> -> memref<1x80x128xi32, #tpu.memory_space<hbm>>
      %dma_wait3A_240 = tpu.memref_squeeze %dma_wait3A_239 : memref<1x80x128xi32, #tpu.memory_space<hbm>> -> memref<80x128xi32, #tpu.memory_space<hbm>>
      tpu.wait_dma2 semaphore(%run_scoped3A : memref<!tpu.dma_semaphore, #tpu.memory_space<semaphore_mem>>) src(%dma_wait3A_240 : memref<80x128xi32, #tpu.memory_space<hbm>>) dst(%arg5 : memref<80x128xi32, #tpu.memory_space<vmem>>)
      tpu.yield
    }) : () -> ()
    "tpu.region"() ({
      %run_scoped3A = tpu.sem_alloc : memref<!tpu.dma_semaphore, #tpu.memory_space<semaphore_mem>>
      %dma_start3A = arith.constant 0 : i32
      %dma_start3A_227 = arith.constant 0 : i32
      %dma_start3A_228 = tpu.memref_slice %arg3[%add3A, %dma_start3A, %dma_start3A_227] : memref<32x80x128xi32, #tpu.memory_space<hbm>> -> memref<1x80x128xi32, #tpu.memory_space<hbm>>
      %dma_start3A_229 = tpu.memref_squeeze %dma_start3A_228 : memref<1x80x128xi32, #tpu.memory_space<hbm>> -> memref<80x128xi32, #tpu.memory_space<hbm>>
      %dma_start3A_230 = arith.constant 0 : i32
      %dma_start3A_231 = arith.constant 0 : i32
      %dma_start3A_232 = tpu.memref_slice %arg3[%add3A, %dma_start3A_230, %dma_start3A_231] : memref<32x80x128xi32, #tpu.memory_space<hbm>> -> memref<1x80x128xi32, #tpu.memory_space<hbm>>
      %dma_start3A_233 = tpu.memref_squeeze %dma_start3A_232 : memref<1x80x128xi32, #tpu.memory_space<hbm>> -> memref<80x128xi32, #tpu.memory_space<hbm>>
      tpu.enqueue_dma source(%dma_start3A_233 : memref<80x128xi32, #tpu.memory_space<hbm>>) target(%arg6 : memref<80x128xi32, #tpu.memory_space<vmem>>) target_semaphore(%run_scoped3A : memref<!tpu.dma_semaphore, #tpu.memory_space<semaphore_mem>>)
      %dma_wait3A = arith.constant 0 : i32
      %dma_wait3A_234 = arith.constant 0 : i32
      %dma_wait3A_235 = tpu.memref_slice %arg3[%add3A, %dma_wait3A, %dma_wait3A_234] : memref<32x80x128xi32, #tpu.memory_space<hbm>> -> memref<1x80x128xi32, #tpu.memory_space<hbm>>
      %dma_wait3A_236 = tpu.memref_squeeze %dma_wait3A_235 : memref<1x80x128xi32, #tpu.memory_space<hbm>> -> memref<80x128xi32, #tpu.memory_space<hbm>>
      %dma_wait3A_237 = arith.constant 0 : i32
      %dma_wait3A_238 = arith.constant 0 : i32
      %dma_wait3A_239 = tpu.memref_slice %arg3[%add3A, %dma_wait3A_237, %dma_wait3A_238] : memref<32x80x128xi32, #tpu.memory_space<hbm>> -> memref<1x80x128xi32, #tpu.memory_space<hbm>>
      %dma_wait3A_240 = tpu.memref_squeeze %dma_wait3A_239 : memref<1x80x128xi32, #tpu.memory_space<hbm>> -> memref<80x128xi32, #tpu.memory_space<hbm>>
      tpu.wait_dma2 semaphore(%run_scoped3A : memref<!tpu.dma_semaphore, #tpu.memory_space<semaphore_mem>>) src(%dma_wait3A_240 : memref<80x128xi32, #tpu.memory_space<hbm>>) dst(%arg6 : memref<80x128xi32, #tpu.memory_space<vmem>>)
      tpu.yield
    }) : () -> ()
    %barrier3A = arith.constant 0 : index
    tpu.barrier barrier_id(%barrier3A)
    %scan3A = arith.constant 0 : i32
    %scan3A_199 = arith.constant 0 : i32
    %scan3A_200 = arith.constant 80 : i32
    %scan3A_201 = arith.addi %scan3A_199, %scan3A_200 : i32
    %scan3A_202 = arith.constant 1 : i32
    scf.for %scan3A_227 = %scan3A_199 to %scan3A_201 step %scan3A_202  : i32 {
      %dma_start3A = arith.constant 0 : i32
      %dma_start3A_228 = tpu.memref_slice %arg5[%scan3A_227, %dma_start3A] : memref<80x128xi32, #tpu.memory_space<vmem>> -> memref<1x128xi32, #tpu.memory_space<vmem>>
      %dma_start3A_229 = tpu.memref_squeeze %dma_start3A_228 : memref<1x128xi32, #tpu.memory_space<vmem>> -> memref<128xi32, #tpu.memory_space<vmem>>
      %dma_start3A_230 = arith.constant 0 : i32
      %dma_start3A_231 = tpu.memref_slice %arg10[%dma_start3A_230] : memref<10240xf32, #tpu.memory_space<vmem_shared>> -> memref<10240xf32, #tpu.memory_space<vmem_shared>>
      tpu.enqueue_indirect_dma source(%arg7 : memref<128xf32, #tpu.memory_space<vmem>>) target(%dma_start3A_231 : memref<10240xf32, #tpu.memory_space<vmem_shared>>) offsets(%dma_start3A_229 : memref<128xi32, #tpu.memory_space<vmem>>) semaphore(%arg9 : memref<!tpu.dma_semaphore, #tpu.memory_space<semaphore_mem>>) {add = true}
      %dma_start3A_232 = arith.constant 0 : i32
      %dma_start3A_233 = tpu.memref_slice %arg6[%scan3A_227, %dma_start3A_232] : memref<80x128xi32, #tpu.memory_space<vmem>> -> memref<1x128xi32, #tpu.memory_space<vmem>>
      %dma_start3A_234 = tpu.memref_squeeze %dma_start3A_233 : memref<1x128xi32, #tpu.memory_space<vmem>> -> memref<128xi32, #tpu.memory_space<vmem>>
      %dma_start3A_235 = arith.constant 0 : i32
      %dma_start3A_236 = tpu.memref_slice %arg11[%dma_start3A_235] : memref<10240xf32, #tpu.memory_space<vmem_shared>> -> memref<10240xf32, #tpu.memory_space<vmem_shared>>
      tpu.enqueue_indirect_dma source(%arg7 : memref<128xf32, #tpu.memory_space<vmem>>) target(%dma_start3A_236 : memref<10240xf32, #tpu.memory_space<vmem_shared>>) offsets(%dma_start3A_234 : memref<128xi32, #tpu.memory_space<vmem>>) semaphore(%arg9 : memref<!tpu.dma_semaphore, #tpu.memory_space<semaphore_mem>>) {add = true}
    }
    %scan3A_203 = arith.constant 80 : i32
    %scan3A_204 = arith.constant 0 : i32
    %scan3A_205 = arith.constant 0 : i32
    %scan3A_206 = arith.constant 80 : i32
    %scan3A_207 = arith.addi %scan3A_205, %scan3A_206 : i32
    %scan3A_208 = arith.constant 1 : i32
    scf.for %scan3A_227 = %scan3A_205 to %scan3A_207 step %scan3A_208  : i32 {
      %dma_wait3A = arith.constant 0 : i32
      %dma_wait3A_228 = tpu.memref_slice %arg5[%scan3A_227, %dma_wait3A] : memref<80x128xi32, #tpu.memory_space<vmem>> -> memref<1x128xi32, #tpu.memory_space<vmem>>
      %dma_wait3A_229 = tpu.memref_squeeze %dma_wait3A_228 : memref<1x128xi32, #tpu.memory_space<vmem>> -> memref<128xi32, #tpu.memory_space<vmem>>
      %dma_wait3A_230 = arith.constant 0 : i32
      %dma_wait3A_231 = tpu.memref_slice %arg10[%dma_wait3A_230] : memref<10240xf32, #tpu.memory_space<vmem_shared>> -> memref<10240xf32, #tpu.memory_space<vmem_shared>>
      tpu.wait_indirect_dma semaphore(%arg9 : memref<!tpu.dma_semaphore, #tpu.memory_space<semaphore_mem>>) src(%arg7 : memref<128xf32, #tpu.memory_space<vmem>>) dst(%dma_wait3A_231 : memref<10240xf32, #tpu.memory_space<vmem_shared>>)
      %dma_wait3A_232 = arith.constant 0 : i32
      %dma_wait3A_233 = tpu.memref_slice %arg6[%scan3A_227, %dma_wait3A_232] : memref<80x128xi32, #tpu.memory_space<vmem>> -> memref<1x128xi32, #tpu.memory_space<vmem>>
      %dma_wait3A_234 = tpu.memref_squeeze %dma_wait3A_233 : memref<1x128xi32, #tpu.memory_space<vmem>> -> memref<128xi32, #tpu.memory_space<vmem>>
      %dma_wait3A_235 = arith.constant 0 : i32
      %dma_wait3A_236 = tpu.memref_slice %arg11[%dma_wait3A_235] : memref<10240xf32, #tpu.memory_space<vmem_shared>> -> memref<10240xf32, #tpu.memory_space<vmem_shared>>
      tpu.wait_indirect_dma semaphore(%arg9 : memref<!tpu.dma_semaphore, #tpu.memory_space<semaphore_mem>>) src(%arg7 : memref<128xf32, #tpu.memory_space<vmem>>) dst(%dma_wait3A_236 : memref<10240xf32, #tpu.memory_space<vmem_shared>>)
    }
    %scan3A_209 = arith.constant 80 : i32
    %barrier3A_210 = arith.constant 0 : index
    tpu.barrier barrier_id(%barrier3A_210)
    %mul3A_211 = arith.constant 640 : i32
    %mul3A_212 = arith.muli %arg1, %mul3A_211 : i32
    %mul3A_213 = arith.constant 20480 : i32
    %mul3A_214 = arith.muli %arg0, %mul3A_213 : i32
    %mul3A_215 = arith.constant 640 : i32
    %mul3A_216 = arith.muli %arg1, %mul3A_215 : i32
    %add3A_217 = arith.addi %mul3A_214, %mul3A_216 : i32
    "tpu.region"() ({
      %run_scoped3A = tpu.sem_alloc : memref<!tpu.dma_semaphore, #tpu.memory_space<semaphore_mem>>
      %dma_start3A = tpu.memref_slice %arg4[%add3A_217] : memref<40960xf32, #tpu.memory_space<hbm>> -> memref<640xf32, #tpu.memory_space<hbm>>
      %dma_start3A_227 = tpu.memref_slice %arg10[%mul3A_212] : memref<10240xf32, #tpu.memory_space<vmem_shared>> -> memref<640xf32, #tpu.memory_space<vmem_shared>>
      tpu.enqueue_dma source(%dma_start3A_227 : memref<640xf32, #tpu.memory_space<vmem_shared>>) target(%dma_start3A : memref<640xf32, #tpu.memory_space<hbm>>) target_semaphore(%run_scoped3A : memref<!tpu.dma_semaphore, #tpu.memory_space<semaphore_mem>>)
      %dma_wait3A = tpu.memref_slice %arg4[%add3A_217] : memref<40960xf32, #tpu.memory_space<hbm>> -> memref<640xf32, #tpu.memory_space<hbm>>
      %dma_wait3A_228 = tpu.memref_slice %arg10[%mul3A_212] : memref<10240xf32, #tpu.memory_space<vmem_shared>> -> memref<640xf32, #tpu.memory_space<vmem_shared>>
      tpu.wait_dma2 semaphore(%run_scoped3A : memref<!tpu.dma_semaphore, #tpu.memory_space<semaphore_mem>>) src(%dma_wait3A_228 : memref<640xf32, #tpu.memory_space<vmem_shared>>) dst(%dma_wait3A : memref<640xf32, #tpu.memory_space<hbm>>)
      tpu.yield
    }) : () -> ()
    %mul3A_218 = arith.constant 640 : i32
    %mul3A_219 = arith.muli %arg1, %mul3A_218 : i32
    %mul3A_220 = arith.constant 20480 : i32
    %mul3A_221 = arith.muli %arg0, %mul3A_220 : i32
    %add3A_222 = arith.constant 10240 : i32
    %add3A_223 = arith.addi %mul3A_221, %add3A_222 : i32
    %mul3A_224 = arith.constant 640 : i32
    %mul3A_225 = arith.muli %arg1, %mul3A_224 : i32
    %add3A_226 = arith.addi %add3A_223, %mul3A_225 : i32
    "tpu.region"() ({
      %run_scoped3A = tpu.sem_alloc : memref<!tpu.dma_semaphore, #tpu.memory_space<semaphore_mem>>
      %dma_start3A = tpu.memref_slice %arg4[%add3A_226] : memref<40960xf32, #tpu.memory_space<hbm>> -> memref<640xf32, #tpu.memory_space<hbm>>
      %dma_start3A_227 = tpu.memref_slice %arg11[%mul3A_219] : memref<10240xf32, #tpu.memory_space<vmem_shared>> -> memref<640xf32, #tpu.memory_space<vmem_shared>>
      tpu.enqueue_dma source(%dma_start3A_227 : memref<640xf32, #tpu.memory_space<vmem_shared>>) target(%dma_start3A : memref<640xf32, #tpu.memory_space<hbm>>) target_semaphore(%run_scoped3A : memref<!tpu.dma_semaphore, #tpu.memory_space<semaphore_mem>>)
      %dma_wait3A = tpu.memref_slice %arg4[%add3A_226] : memref<40960xf32, #tpu.memory_space<hbm>> -> memref<640xf32, #tpu.memory_space<hbm>>
      %dma_wait3A_228 = tpu.memref_slice %arg11[%mul3A_219] : memref<10240xf32, #tpu.memory_space<vmem_shared>> -> memref<640xf32, #tpu.memory_space<vmem_shared>>
      tpu.wait_dma2 semaphore(%run_scoped3A : memref<!tpu.dma_semaphore, #tpu.memory_space<semaphore_mem>>) src(%dma_wait3A_228 : memref<640xf32, #tpu.memory_space<vmem_shared>>) dst(%dma_wait3A : memref<640xf32, #tpu.memory_space<hbm>>)
      tpu.yield
    }) : () -> ()
    return
  }
}

module attributes {stable_mosaic.version = 14 : i64} {
  func.func @_mm_body(%arg0: memref<10000x128xf32, #tpu.memory_space<vmem>>, %arg1: memref<128x128xf32, #tpu.memory_space<vmem>>, %arg2: memref<128x1xf32, #tpu.memory_space<vmem>>, %arg3: memref<128x128xf32, #tpu.memory_space<vmem>>, %arg4: memref<128x1xf32, #tpu.memory_space<vmem>>, %arg5: memref<1x20480xf32, #tpu.memory_space<vmem>>) attributes {dimension_semantics = [], scalar_prefetch = 0 : i64, scratch_operands = 0 : i64, tpu.core_type = #tpu.core_type<tc>} {
    %get3A = arith.constant 0 : index
    %get3A_0 = arith.constant 0 : index
    %get3A_1 = vector.load %arg1[%get3A, %get3A_0] : memref<128x128xf32, #tpu.memory_space<vmem>>, vector<128x128xf32>
    %get3A_2 = arith.constant 0 : index
    %get3A_3 = arith.constant 0 : index
    %get3A_4 = vector.load %arg2[%get3A_2, %get3A_3] : memref<128x1xf32, #tpu.memory_space<vmem>>, vector<128x1xf32>
    %dot_general3A = arith.constant dense<0.000000e+00> : vector<128x1xf32>
    %dot_general3A_5 = tpu.matmul %get3A_1, %get3A_4, %dot_general3A {dimension_numbers = #tpu.dot_dimension_numbers<[1], [0], [0], [1], [0, 0, 1, 1], [], []>, transpose_lhs_hint = false} : vector<128x128xf32>, vector<128x1xf32>, vector<128x1xf32> -> vector<128x1xf32>
    %get3A_6 = arith.constant 0 : index
    %get3A_7 = arith.constant 0 : index
    %get3A_8 = vector.load %arg3[%get3A_6, %get3A_7] : memref<128x128xf32, #tpu.memory_space<vmem>>, vector<128x128xf32>
    %get3A_9 = arith.constant 0 : index
    %get3A_10 = arith.constant 0 : index
    %get3A_11 = vector.load %arg4[%get3A_9, %get3A_10] : memref<128x1xf32, #tpu.memory_space<vmem>>, vector<128x1xf32>
    %dot_general3A_12 = arith.constant dense<0.000000e+00> : vector<128x1xf32>
    %dot_general3A_13 = tpu.matmul %get3A_8, %get3A_11, %dot_general3A_12 {dimension_numbers = #tpu.dot_dimension_numbers<[1], [0], [0], [1], [0, 0, 1, 1], [], []>, transpose_lhs_hint = false} : vector<128x128xf32>, vector<128x1xf32>, vector<128x1xf32> -> vector<128x1xf32>
    %get3A_14 = arith.constant 0 : index
    %get3A_15 = arith.constant 0 : index
    %get3A_16 = vector.load %arg0[%get3A_14, %get3A_15] : memref<10000x128xf32, #tpu.memory_space<vmem>>, vector<10000x128xf32>
    %dot_general3A_17 = arith.constant dense<0.000000e+00> : vector<10000x1xf32>
    %dot_general3A_18 = tpu.matmul %get3A_16, %dot_general3A_5, %dot_general3A_17 {dimension_numbers = #tpu.dot_dimension_numbers<[1], [0], [0], [1], [0, 0, 1, 1], [], []>, transpose_lhs_hint = false} : vector<10000x128xf32>, vector<128x1xf32>, vector<10000x1xf32> -> vector<10000x1xf32>
    %get3A_19 = arith.constant 0 : index
    %get3A_20 = arith.constant 0 : index
    %get3A_21 = vector.load %arg0[%get3A_19, %get3A_20] : memref<10000x128xf32, #tpu.memory_space<vmem>>, vector<10000x128xf32>
    %dot_general3A_22 = arith.constant dense<0.000000e+00> : vector<10000x1xf32>
    %dot_general3A_23 = tpu.matmul %get3A_21, %dot_general3A_13, %dot_general3A_22 {dimension_numbers = #tpu.dot_dimension_numbers<[1], [0], [0], [1], [0, 0, 1, 1], [], []>, transpose_lhs_hint = false} : vector<10000x128xf32>, vector<128x1xf32>, vector<10000x1xf32> -> vector<10000x1xf32>
    %broadcast_in_dim3A = arith.constant 0.000000e+00 : f32
    %broadcast_in_dim3A_24 = vector.broadcast %broadcast_in_dim3A : f32 to vector<1x240xf32>
    %transpose3A = tpu.transpose %dot_general3A_18, [1, 0] : vector<10000x1xf32> -> vector<1x10000xf32>
    %transpose3A_25 = tpu.transpose %dot_general3A_23, [1, 0] : vector<10000x1xf32> -> vector<1x10000xf32>
    %concatenate3A = tpu.concatenate %transpose3A, %broadcast_in_dim3A_24, %transpose3A_25, %broadcast_in_dim3A_24 in 1 : vector<1x10000xf32>, vector<1x240xf32>, vector<1x10000xf32>, vector<1x240xf32> -> vector<1x20480xf32>
    %swap3A = arith.constant 0 : index
    %swap3A_26 = arith.constant 0 : index
    %swap3A_27 = vector.load %arg5[%swap3A, %swap3A_26] : memref<1x20480xf32, #tpu.memory_space<vmem>>, vector<1x20480xf32>
    tpu.vector_store %arg5[%swap3A, %swap3A_26], %concatenate3A {strides = array<i32>} : memref<1x20480xf32, #tpu.memory_space<vmem>>, vector<1x20480xf32>,
    return
  }
}

module attributes {stable_mosaic.version = 14 : i64} {
  func.func @_scale_body(%arg0: memref<1x20480xf32, #tpu.memory_space<vmem>>, %arg1: memref<4x10240xf32, #tpu.memory_space<vmem>>, %arg2: memref<1x20480xf32, #tpu.memory_space<vmem>>) attributes {dimension_semantics = [], scalar_prefetch = 0 : i64, scratch_operands = 0 : i64, tpu.core_type = #tpu.core_type<tc>} {
    %get3A = arith.constant 0 : index
    %get3A_0 = arith.constant 0 : index
    %get3A_1 = vector.load %arg1[%get3A, %get3A_0] : memref<4x10240xf32, #tpu.memory_space<vmem>>, vector<1x10240xf32>
    %get3A_2 = arith.constant 2 : index
    %get3A_3 = arith.constant 0 : index
    %get3A_4 = vector.load %arg1[%get3A_2, %get3A_3] : memref<4x10240xf32, #tpu.memory_space<vmem>>, vector<1x10240xf32>
    %add3A = arith.addf %get3A_1, %get3A_4 : vector<1x10240xf32>
    %gt3A = arith.constant 0.000000e+00 : f32
    %gt3A_5 = vector.broadcast %gt3A : f32 to vector<1x10240xf32>
    %gt3A_6 = arith.cmpf ogt, %add3A, %gt3A_5 : vector<1x10240xf32>
    %max3A = arith.constant 1.000000e+00 : f32
    %max3A_7 = vector.broadcast %max3A : f32 to vector<1x10240xf32>
    %max3A_8 = arith.maximumf %add3A, %max3A_7 : vector<1x10240xf32>
    %rsqrt3A = math.rsqrt %max3A_8 : vector<1x10240xf32>
    %jit3A = arith.constant 0.000000e+00 : f32
    %broadcast_in_dim3A = vector.broadcast %jit3A : f32 to vector<1x10240xf32>
    %select_n3A = arith.select %gt3A_6, %rsqrt3A, %broadcast_in_dim3A : vector<1x10240xi1>, vector<1x10240xf32>
    %get3A_9 = arith.constant 0 : index
    %get3A_10 = arith.constant 0 : index
    %get3A_11 = vector.load %arg0[%get3A_9, %get3A_10] : memref<1x20480xf32, #tpu.memory_space<vmem>>, vector<1x20480xf32>
    %concatenate3A = tpu.concatenate %select_n3A, %select_n3A in 1 : vector<1x10240xf32>, vector<1x10240xf32> -> vector<1x20480xf32>
    %mul3A = arith.mulf %get3A_11, %concatenate3A : vector<1x20480xf32>
    %swap3A = arith.constant 0 : index
    %swap3A_12 = arith.constant 0 : index
    %swap3A_13 = vector.load %arg2[%swap3A, %swap3A_12] : memref<1x20480xf32, #tpu.memory_space<vmem>>, vector<1x20480xf32>
    tpu.vector_store %arg2[%swap3A, %swap3A_12], %mul3A {strides = array<i32>} : memref<1x20480xf32, #tpu.memory_space<vmem>>, vector<1x20480xf32>,
    return
  }
}

module attributes {stable_mosaic.version = 14 : i64} {
  func.func @_fin_body(%arg0: memref<4x10240xf32, #tpu.memory_space<vmem>>, %arg1: memref<4x10240xf32, #tpu.memory_space<vmem>>, %arg2: memref<1x128xf32, #tpu.memory_space<vmem>>, %arg3: memref<1x128xf32, #tpu.memory_space<vmem>>, %arg4: memref<1x1xf32, #tpu.memory_space<vmem>>, %arg5: memref<1x128xf32, #tpu.memory_space<vmem>>, %arg6: memref<1x128xf32, #tpu.memory_space<vmem>>, %arg7: memref<1x1xf32, #tpu.memory_space<vmem>>, %arg8: memref<1x10240xf32, #tpu.memory_space<vmem>>, %arg9: memref<1x10240xf32, #tpu.memory_space<vmem>>) attributes {dimension_semantics = [], scalar_prefetch = 0 : i64, scratch_operands = 0 : i64, tpu.core_type = #tpu.core_type<tc>} {
    %get3A = arith.constant 1 : index
    %get3A_0 = arith.constant 0 : index
    %get3A_1 = vector.load %arg1[%get3A, %get3A_0] : memref<4x10240xf32, #tpu.memory_space<vmem>>, vector<1x10240xf32>
    %get3A_2 = arith.constant 3 : index
    %get3A_3 = arith.constant 0 : index
    %get3A_4 = vector.load %arg1[%get3A_2, %get3A_3] : memref<4x10240xf32, #tpu.memory_space<vmem>>, vector<1x10240xf32>
    %add3A = arith.addf %get3A_1, %get3A_4 : vector<1x10240xf32>
    %gt3A = arith.constant 0.000000e+00 : f32
    %gt3A_5 = vector.broadcast %gt3A : f32 to vector<1x10240xf32>
    %gt3A_6 = arith.cmpf ogt, %add3A, %gt3A_5 : vector<1x10240xf32>
    %max3A = arith.constant 1.000000e+00 : f32
    %max3A_7 = vector.broadcast %max3A : f32 to vector<1x10240xf32>
    %max3A_8 = arith.maximumf %add3A, %max3A_7 : vector<1x10240xf32>
    %rsqrt3A = math.rsqrt %max3A_8 : vector<1x10240xf32>
    %jit3A = arith.constant 0.000000e+00 : f32
    %broadcast_in_dim3A = vector.broadcast %jit3A : f32 to vector<1x10240xf32>
    %select_n3A = arith.select %gt3A_6, %rsqrt3A, %broadcast_in_dim3A : vector<1x10240xi1>, vector<1x10240xf32>
    %get3A_9 = arith.constant 0 : index
    %get3A_10 = arith.constant 0 : index
    %get3A_11 = vector.load %arg0[%get3A_9, %get3A_10] : memref<4x10240xf32, #tpu.memory_space<vmem>>, vector<1x10240xf32>
    %get3A_12 = arith.constant 2 : index
    %get3A_13 = arith.constant 0 : index
    %get3A_14 = vector.load %arg0[%get3A_12, %get3A_13] : memref<4x10240xf32, #tpu.memory_space<vmem>>, vector<1x10240xf32>
    %add3A_15 = arith.addf %get3A_11, %get3A_14 : vector<1x10240xf32>
    %get3A_16 = arith.constant 1 : index
    %get3A_17 = arith.constant 0 : index
    %get3A_18 = vector.load %arg0[%get3A_16, %get3A_17] : memref<4x10240xf32, #tpu.memory_space<vmem>>, vector<1x10240xf32>
    %get3A_19 = arith.constant 3 : index
    %get3A_20 = arith.constant 0 : index
    %get3A_21 = vector.load %arg0[%get3A_19, %get3A_20] : memref<4x10240xf32, #tpu.memory_space<vmem>>, vector<1x10240xf32>
    %add3A_22 = arith.addf %get3A_18, %get3A_21 : vector<1x10240xf32>
    %get3A_23 = arith.constant 0 : index
    %get3A_24 = arith.constant 0 : index
    %get3A_25 = vector.load %arg2[%get3A_23, %get3A_24] : memref<1x128xf32, #tpu.memory_space<vmem>>, vector<1x128xf32>
    %get3A_26 = arith.constant 0 : index
    %get3A_27 = arith.constant 0 : index
    %get3A_28 = vector.load %arg3[%get3A_26, %get3A_27] : memref<1x128xf32, #tpu.memory_space<vmem>>, vector<1x128xf32>
    %mul3A = arith.mulf %get3A_25, %get3A_28 : vector<1x128xf32>
    %reduce_sum3A = vector.shape_cast %mul3A : vector<1x128xf32> to vector<1x1x128xf32>
    %reduce_sum3A_29 = arith.constant dense<0.000000e+00> : vector<1xf32>
    %reduce_sum3A_30 = vector.multi_reduction <add>, %reduce_sum3A, %reduce_sum3A_29 [1, 2] : vector<1x1x128xf32> to vector<1xf32>
    %reduce_sum3A_31 = vector.shape_cast %reduce_sum3A_30 : vector<1xf32> to vector<1x1x1xf32>
    %reduce_sum3A_32 = vector.extract %reduce_sum3A_31[0, 0, 0] : f32 from vector<1x1x1xf32>
    %get3A_33 = arith.constant 0 : index
    %get3A_34 = arith.constant 0 : index
    %get3A_35 = vector.load %arg4[%get3A_33, %get3A_34] : memref<1x1xf32, #tpu.memory_space<vmem>>, vector<1x1xf32>
    %get3A_36 = vector.extract %get3A_35[0, 0] : f32 from vector<1x1xf32>
    %add3A_37 = arith.addf %reduce_sum3A_32, %get3A_36 : f32
    %get3A_38 = arith.constant 0 : index
    %get3A_39 = arith.constant 0 : index
    %get3A_40 = vector.load %arg5[%get3A_38, %get3A_39] : memref<1x128xf32, #tpu.memory_space<vmem>>, vector<1x128xf32>
    %get3A_41 = arith.constant 0 : index
    %get3A_42 = arith.constant 0 : index
    %get3A_43 = vector.load %arg6[%get3A_41, %get3A_42] : memref<1x128xf32, #tpu.memory_space<vmem>>, vector<1x128xf32>
    %mul3A_44 = arith.mulf %get3A_40, %get3A_43 : vector<1x128xf32>
    %reduce_sum3A_45 = vector.shape_cast %mul3A_44 : vector<1x128xf32> to vector<1x1x128xf32>
    %reduce_sum3A_46 = arith.constant dense<0.000000e+00> : vector<1xf32>
    %reduce_sum3A_47 = vector.multi_reduction <add>, %reduce_sum3A_45, %reduce_sum3A_46 [1, 2] : vector<1x1x128xf32> to vector<1xf32>
    %reduce_sum3A_48 = vector.shape_cast %reduce_sum3A_47 : vector<1xf32> to vector<1x1x1xf32>
    %reduce_sum3A_49 = vector.extract %reduce_sum3A_48[0, 0, 0] : f32 from vector<1x1x1xf32>
    %get3A_50 = arith.constant 0 : index
    %get3A_51 = arith.constant 0 : index
    %get3A_52 = vector.load %arg7[%get3A_50, %get3A_51] : memref<1x1xf32, #tpu.memory_space<vmem>>, vector<1x1xf32>
    %get3A_53 = vector.extract %get3A_52[0, 0] : f32 from vector<1x1xf32>
    %add3A_54 = arith.addf %reduce_sum3A_49, %get3A_53 : f32
    %mul3A_55 = arith.mulf %add3A_15, %select_n3A : vector<1x10240xf32>
    %add3A_56 = vector.broadcast %add3A_37 : f32 to vector<1x10240xf32>
    %add3A_57 = arith.addf %mul3A_55, %add3A_56 : vector<1x10240xf32>
    %swap3A = arith.constant 0 : index
    %swap3A_58 = arith.constant 0 : index
    %swap3A_59 = vector.load %arg8[%swap3A, %swap3A_58] : memref<1x10240xf32, #tpu.memory_space<vmem>>, vector<1x10240xf32>
    tpu.vector_store %arg8[%swap3A, %swap3A_58], %add3A_57 {strides = array<i32>} : memref<1x10240xf32, #tpu.memory_space<vmem>>, vector<1x10240xf32>,
    %mul3A_60 = arith.mulf %add3A_22, %select_n3A : vector<1x10240xf32>
    %add3A_61 = vector.broadcast %add3A_54 : f32 to vector<1x10240xf32>
    %add3A_62 = arith.addf %mul3A_60, %add3A_61 : vector<1x10240xf32>
    %swap3A_63 = arith.constant 0 : index
    %swap3A_64 = arith.constant 0 : index
    %swap3A_65 = vector.load %arg9[%swap3A_63, %swap3A_64] : memref<1x10240xf32, #tpu.memory_space<vmem>>, vector<1x10240xf32>
    tpu.vector_store %arg9[%swap3A_63, %swap3A_64], %add3A_62 {strides = array<i32>} : memref<1x10240xf32, #tpu.memory_space<vmem>>, vector<1x10240xf32>,
    return
  }
}

</mosaic_0001>

<sc_bundles>
// kernel: kernel.10.cloned.1.call-start
scs
__scs_entry_jumppad:
0x0: {  	(pc) =	sbr.rel $0x88, $3  }
0x1: {  	(tag) =	ssettag $0x0;
	lr =	simm.s32 $0x1  }
0x2: {  	[smem:$0x3F97] =	sst lr;
	_ =	strace $0xD0000000  }
0x3: {  	_ = 	snop  }
0x4: {  	_ = 	snop  }
0x5: {  	_ = 	snop  }
0x6: {  	_ = 	snop  }
0x7: {  	_ = 	snop  }
__scs_overlays_trampoline_lowered:
0x8: {  	[smem:$0x3FA6] =	sst s0  }
0x9: {  	[smem:$0x3FA7] =	sst s1  }
0xa: {  	[smem:$0x3FA8] =	sst s2  }
0xb: {  	[smem:$0x3FA9] =	sst s3  }
0xc: {  	[smem:$0x3FAA] =	sst s4  }
0xd: {  	[smem:$0x3FAB] =	sst s5  }
0xe: {  	[smem:$0x3FAC] =	sst s6  }
0xf: {  	[smem:$0x3FAD] =	sst s7  }
0x10: {  	[smem:$0x3FAE] =	sst s8  }
0x11: {  	[smem:$0x3FAF] =	sst s9;
	s0 =	simm.s32 @!p0 $0x0  }
0x12: {  	s1 =	sld [smem:$0x3F95];
	s0 =	simm.s32 @p0 $0x1  }
0x13: {  	[smem:$0x3FB0] =	sst s0;
	s0 =	simm.s32 @!p1 $0x0  }
0x14: {  	s2 =	sld [smem:$0x3F94];
	s0 =	simm.s32 @p1 $0x1  }
0x15: {  	[smem:$0x3FB1] =	sst s0;
	s0 =	simm.s32 @!p2 $0x0  }
0x16: {  	s3 =	sld [smem:$0x3FDB];
	s0 =	simm.s32 @p2 $0x1  }
0x17: {  	s4 =	simm.s32 $0x1BF5;
	[smem:$0x3FB3] =	sst s0  }
0x18: {  	s0 =	sld [smem:$0x3F96];
	_ =	swait.ge [sflag:s4], $0x0  }
0x19: {  	s7 =	sld [smem:$0x3F97]  }
0x1a: {  	s8 =	sadd.s32 $0xFFFFE003, lr  }
0x1b: {  	s9 =	sadd.s32 $0xFFFFFEF7, lr;
	s5 =	simm.s32 $0xFFFFFFFF;
	p2 =	slt.u32 s8, $0xFFFFF086  }
0x1c: {  	p1 =	slt.u32 s9, $0xF7A;
	s5 =	simm.s32 @!p2 $0x0  }
0x1d: {  	s5 =	simm.s32 @p1 $0x1;
	p0 =	seq.s32 s7, s2  }
0x1e: {  	s7 =	smul.u32 @!p0 $0xF7A, s2;
	p2 =	seq.s32 @!p0 s5, $0x0  }
0x1f: {  	s9 =	smul.u32 $0xF7A, s1;
	s8 =	simm.s32 @!p0 $0x1BF5;
	p2 =	por !p2, p0  }
0x20: {  	[sflag:s8] =	ssyncset.s32 @!p0 $0xFFFFF086;
	s6 =	sadd.s32 @!p0 s3, s7;
	s7 =	simm.s32 @!p0 $0x108  }
0x21: {  	s3 =	sadd.s32 s3, s9;
	s6 =	sadd.s32 @!p0 $0x88, s6;
	s7 =	simm.s32 @p2 $0x1082  }
0x22: {  	[simem:s7], [sflag:s8] =	dma.local @!p0 [hbm:s6], $0xF7A  }
0x23: {  	s9 =	sor.u32 $0xD0000000, s2;
	s6 =	simm.s32 $0x108;
	_ =	swait.ge @!p0 [sflag:s8], $0x0  }
0x24: {  	s3 =	sadd.s32 $0x88, s3;
	s6 =	simm.s32 @!p1 $0x1082;
	[sflag:s4] =	ssyncset.s32 $0xFFFFF086  }
0x25: {  	[simem:s6], [sflag:s4] =	dma.local [hbm:s3], $0xF7A  }
0x26: {  	[smem:$0x3F97] =	sst s1;
	(tag) =	ssettag s2;
	_ =	strace s9  }
0x27: {  	s1 =	sld [smem:$0x3FA7]  }
0x28: {  	s2 =	sld [smem:$0x3FA8]  }
0x29: {  	s4 =	sld [smem:$0x3FAA]  }
0x2a: {  	p0 =	seq.s32 s5, $0x0;
	s5 =	sld [smem:$0x3FAB]  }
0x2b: {  	s6 =	sld [smem:$0x3FAC]  }
0x2c: {  	s7 =	sld [smem:$0x3FAD]  }
0x2d: {  	s3 =	simm.s32 $0x108;
	s8 =	sld [smem:$0x3FAE]  }
0x2e: {  	s3 =	simm.s32 @!p0 $0x1082;
	s9 =	sld [smem:$0x3FAF]  }
0x2f: {  	lr =	sadd.s32 s0, s3;
	s0 =	sld [smem:$0x3FA6]  }
0x30: {  	s3 =	sld [smem:$0x3FA9]  }
0x31: {  	[smem:$0x3FB2] =	sst s10  }
0x32: {  	s10 =	sld [smem:$0x3FB0];
	_ =	sdelay $0x3  }
0x33: {  	p0 =	seq.s32 s10, $0x1;
	s10 =	sld [smem:$0x3FB2];
	_ =	sdelay $0x3  }
0x34: {  	[smem:$0x3FB2] =	sst s10  }
0x35: {  	s10 =	sld [smem:$0x3FB1];
	_ =	sdelay $0x3  }
0x36: {  	p1 =	seq.s32 s10, $0x1;
	s10 =	sld [smem:$0x3FB2];
	_ =	sdelay $0x3  }
0x37: {  	[smem:$0x3FB2] =	sst s10  }
0x38: {  	s10 =	sld [smem:$0x3FB3]  }
0x39: {  	_ = 	snop;
	(pc) =	sbr.ind lr, $3  }
0x3a: {  	_ = 	snop  }
0x3b: {  	_ = 	snop  }
0x3c: {  	p2 =	seq.s32 s10, $0x1;
	s10 =	sld [smem:$0x3FB2]  }
0x3d: {  	_ =	shalt  }
0x3e: {  	_ =	shalt  }
0x3f: {  	_ =	shalt  }
0x40: {  	_ =	shalt  }
0x41: {  	_ =	shalt  }
0x42: {  	_ =	shalt  }
0x43: {  	_ =	shalt  }
0x44: {  	_ =	shalt  }
0x45: {  	_ =	shalt  }
0x46: {  	_ =	shalt  }
0x47: {  	_ =	shalt  }
0x48: {  	_ =	shalt  }
0x49: {  	_ =	shalt  }
0x4a: {  	_ =	shalt  }
0x4b: {  	_ =	shalt  }
0x4c: {  	_ =	shalt  }
0x4d: {  	_ =	shalt  }
0x4e: {  	_ =	shalt  }
0x4f: {  	_ =	shalt  }
0x50: {  	_ =	shalt  }
0x51: {  	_ =	shalt  }
0x52: {  	_ =	shalt  }
0x53: {  	_ =	shalt  }
0x54: {  	_ =	shalt  }
0x55: {  	_ =	shalt  }
0x56: {  	_ =	shalt  }
0x57: {  	_ =	shalt  }
0x58: {  	_ =	shalt  }
0x59: {  	_ =	shalt  }
0x5a: {  	_ =	shalt  }
0x5b: {  	_ =	shalt  }
0x5c: {  	_ =	shalt  }
0x5d: {  	_ =	shalt  }
0x5e: {  	_ =	shalt  }
0x5f: {  	_ =	shalt  }
0x60: {  	_ =	shalt  }
0x61: {  	_ =	shalt  }
0x62: {  	_ =	shalt  }
0x63: {  	_ =	shalt  }
0x64: {  	_ =	shalt  }
0x65: {  	_ =	shalt  }
0x66: {  	_ =	shalt  }
0x67: {  	_ =	shalt  }
0x68: {  	_ =	shalt  }
0x69: {  	_ =	shalt  }
0x6a: {  	_ =	shalt  }
0x6b: {  	_ =	shalt  }
0x6c: {  	_ =	shalt  }
0x6d: {  	_ =	shalt  }
0x6e: {  	_ =	shalt  }
0x6f: {  	_ =	shalt  }
0x70: {  	_ =	shalt  }
0x71: {  	_ =	shalt  }
0x72: {  	_ =	shalt  }
0x73: {  	_ =	shalt  }
0x74: {  	_ =	shalt  }
0x75: {  	_ =	shalt  }
0x76: {  	_ =	shalt  }
0x77: {  	_ =	shalt  }
0x78: {  	_ =	shalt  }
0x79: {  	_ =	shalt  }
0x7a: {  	_ =	shalt  }
0x7b: {  	_ =	shalt  }
0x7c: {  	_ =	shalt  }
0x7d: {  	_ =	shalt  }
0x7e: {  	_ =	shalt  }
0x7f: {  	_ =	shalt  }
0x80: {  	_ =	shalt  }
0x81: {  	_ =	shalt  }
0x82: {  	_ =	shalt  }
0x83: {  	_ =	shalt  }
0x84: {  	_ =	shalt  }
0x85: {  	_ =	shalt  }
0x86: {  	_ =	shalt  }
0x87: {  	_ =	shalt  }
.Lfunc_end0:
.L_simem_size_0:
called_computation.1_lowered:
.L_overlay_start_0:
0x88: {  	s2 =	sld [smem:$0x3FD9]  }
0x89: {  	s3 =	sld [smem:$0x3FFE];
	_ =	sdelay $0x1  }
0x8a: {  	s1 =	srdreg.scid  }
0x8b: {  	s0 =	sand.u32 $0x1, s1  }
0x8c: {  	s16 =	sshll.u32 s0, $0xA;
	s2 =	sadd.s32 s3, s2  }
0x8d: {  	s2 =	sadd.s32 s2, s16  }
0x8e: {  	[smem:$0x3FBE] =	sst s2  }
0x8f: {  	_ = 	snop  }
0x90: {  	(tm) =	ssettm $0x1  }
0x91: {  	s17 =	sld [smem:$0x3FFB];
	_ =	sdelay $0x3  }
0x92: {  	_ =	strace s17  }
0x93: {  	s2 =	sld [smem:$0x3FFC];
	_ =	sdelay $0x3  }
0x94: {  	_ =	strace s2  }
0x95: {  	s2 =	sld [smem:$0x3FFD];
	_ =	sdelay $0x3  }
0x96: {  	_ =	strace s2  }
0x97: {  	_ =	strace $0x8FFFFFFF  }
0x98: {  	s18 =	sld [smem:$0x3FDB];
	_ =	sdelay $0x1  }
0x99: {  	s19 =	simm.s32 $_scs_section_size  }
0x9a: {  	s4 =	simm.s32 $_size__tile_overlayer_lowered;
	s5 =	simm.s32 $_tile_overlayer_lowered  }
0x9b: {  	s22 =	simm.s32 $0x1BFF;
	s21 =	sshll.u32 s5, $0x1;
	s2 =	sadd.s32 s19, s18  }
0x9c: {  	s6 =	simm.s32 $0x0;
	s20 =	sshll.u32 s4, $0x1;
	s4 =	sadd.s32 s21, s2  }
0x9d: {  	[timem:s6], [sflag:s22] =	dma.local [hbm:s4], s20  }
0x9e: {  	_ =	swait.ge [sflag:s22], s20  }
0x9f: {  	s3 =	ssub.s32 $0x0, s20;
	[sflag:s22] =	ssyncset.done $0x0  }
0xa0: {  	[sflag:s22] =	ssyncadd.s32 s3;
	_ =	sdelay $0x1  }
0xa1: {  	s23 =	simm.s32 $0x1B8B  }
0xa2: {  	_ =	swait.ge [sflag:s23], $0x1  }
0xa3: {  	[sflag:s23] =	ssyncset.done $0x0  }
0xa4: {  	s25 =	simm.s32 $0x1B8E;
	s24 =	sld [smem:$0x3FFE];
	[sflag:s23] =	ssyncadd.s32 $0xFFFFFFFF  }
0xa5: {  	s26 =	simm.s32 $execute0_lowered;
	[smem:$0x3FD2] =	sst s25  }
0xa6: {  	s4 =	sshll.u32 s26, $0x1;
	_ =	strace $0x80000049;
	[dreg:$0x1] =	wrdreg $0xFFFFFFFF  }
0xa7: {  	s28 =	simm.s32 $_size_execute0_lowered;
	s2 =	sadd.s32 s2, s4;
	[dreg:$0x0] =	wrdreg $0x0  }
0xa8: {  	s4 =	sshll.u32 s28, $0x1;
	[dreg:$0x2] =	wrdreg s2  }
0xa9: {  	[dreg:$0x3] =	wrdreg s4  }
0xaa: {  	[dreg:$0x4] =	wrdreg $0xC0  }
0xab: {  	_ =	task [dreg:s6], $0x5FFFF  }
0xac: {  	[dreg:$0x1] =	wrdreg $0xFFFFFFFF  }
0xad: {  	[dreg:$0x0] =	wrdreg $0x60  }
0xae: {  	[dreg:$0x2] =	wrdreg s24  }
0xaf: {  	[dreg:$0x3] =	wrdreg $0xA2800  }
0xb0: {  	[dreg:$0x4] =	wrdreg $0xA5000  }
0xb1: {  	[dreg:$0x5] =	wrdreg $0xA7800  }
0xb2: {  	[dreg:$0x6] =	wrdreg $0xAA000  }
0xb3: {  	[dreg:$0x7] =	wrdreg $0x9  }
0xb4: {  	_ =	task.clear_ibuf [dreg:s6], $0x8FFFF;
	_ =	strace $0x90000049  }
0xb5: {  	s29 =	simm.s32 $0x9;
	_ =	strace $0x8000004B  }
0xb6: {  	_ =	swait.ge [sflag:s29], $0x1  }
0xb7: {  	[sflag:s29] =	ssyncadd.s32 $0xFFFFFFFF  }
0xb8: {  	_ =	strace $0x9000004B  }
0xb9: {  	_ =	sfence  }
0xba: {  	s30 =	sld [smem:$0x0];
	_ =	sdelay $0x2  }
0xbb: {  	s31 =	sshll.u32 s1, $0xD;
	s1 =	sshrl.u32 s1, $0x2  }
0xbc: {  	s3 =	sand.u32 $0x4000, s31;
	s1 =	sadd.s32 s1, s30  }
0xbd: {  	s0 =	sor.u32 s3, s0;
	s1 =	sshll.u32 s1, $0x11  }
0xbe: {  	s0 =	sor.u32 s1, s0  }
0xbf: {  	s0 =	sadd.s32 $0x8F2B, s0  }
0xc0: {  	[sflag:s0] =	ssyncadd.remote.s32 $0x1  }
0xc1: {  	_ =	sfence.sel $0xFFFF  }
0xc2: {  	[dreg:$0x0] =	wrdreg $0xFFFFFFFF;
	(pc) =	sbr.abs _section_cstart, $3  }
0xc3: {  	[dreg:$0x1] =	wrdreg $0xFFFFFFFF  }
0xc4: {  	_ =	task.clear_ibuf [dreg:s6], $0x2FFFF;
	_ =	strace $0x9FFFFFFF  }
0xc5: {  	(tm) =	ssettm $0x7FFFFFFF  }
tec
execute0_lowered:
.L_overlay_start_1:
0x0: {  	(tag) =	ssettag $0x1  }
0x1: {  	s7 =	rddreg [dreg:$0x0]  }
0x2: {  	s1 =	rddreg [dreg:$0x1]  }
0x3: {  	s2 =	rddreg [dreg:$0x2]  }
0x4: {  	s4 =	rddreg [dreg:$0x3]  }
0x5: {  	s0 =	srdreg.scid;
	s5 =	rddreg [dreg:$0x4]  }
0x6: {  	s6 =	simm.s32 $0x0;
	s16 =	simm.s32 $0xA000;
	s17 =	simm.s32 $0x3  }
0x7: {  	s21 =	simm.s32 $0x2800;
	s22 =	simm.s32 $0x80;
	s23 =	simm.s32 $0x1  }
0x8: {  	s24 =	simm.s32 $0x2;
	s8 =	sand.u32 $0x1, s0;
	s0 =	stileid.u32  }
0x9: {  	s25 =	simm.s32 $0x0;
	[smem:$0x7FF] =	sst s6;
	s10 =	smul.u32 $0x280, s0  }
0xa: {  	s3 =	sshll.u32 s8, $0x4;
	s11 =	smul.u32 $0x5000, s8;
	s8 =	ssub.s32 $0x2, s8  }
0xb: {  	s18 =	sshll.u32 s0, $0x6;
	s3 =	sor.u32 s0, s3;
	s31 =	sshrl.u32 s8, $0x1  }
0xc: {  	s18 =	sor.u32 $0x1C03, s18;
	s9 =	smul.u32 $0x500, s3;
	s3 =	rddreg [dreg:$0x5]  }
0xd: {  	_ =	strace $0x8000004A;
	s29 =	sshrl.u32 s10, $0x3;
	s11 =	sadd.s32 s10, s11  }
0xe: {  	s15 =	ssub.s32 s8, s31;
	s8 =	sadd.s32 s10, s2;
	s19 =	sadd.s32 s10, s4  }
0xf: {  	s20 =	sadd.s32 s10, s5;
	s13 =	sadd.s32 s29, s7;
	s30 =	sshrl.u32 s11, $0x3  }
0x10: {  	s15 =	smax.u32 s15, $0x1;
	s19 =	sshrl.u32 s19, $0x3;
	s20 =	sshrl.u32 s20, $0x3  }
0x11: {  	s12 =	sadd.s32 s9, s7;
	s14 =	sadd.s32 s30, s7;
	s7 =	sadd.s32 s10, s1  }
0x12: {  	s9 =	sadd.s32 $0x15C00, s13;
	s10 =	sadd.s32 $0x16100, s13;
	s11 =	sadd.s32 $0xBC00, s12  }
0x13: {  	v0 =	vimm.f32 $0.0e+00;
	s12 =	sadd.s32 $0x1C00, s12;
	s13 =	sadd.s32 $0x16600, s14;
	s14 =	sadd.s32 $0x16B00, s14  }
.LBB2_1:
0x14: {  	[tilespmem:$0xA000] =	vst v0  }
0x15: {  	[tilespmem:$0xA010] =	vst v0  }
0x16: {  	[tilespmem:$0xA020] =	vst v0  }
0x17: {  	[tilespmem:$0xA030] =	vst v0  }
0x18: {  	[tilespmem:$0xA040] =	vst v0  }
0x19: {  	[tilespmem:$0xA050] =	vst v0  }
0x1a: {  	[tilespmem:$0xA060] =	vst v0  }
0x1b: {  	[tilespmem:$0xA070] =	vst v0  }
0x1c: {  	[tilespmem:$0xA080] =	vst v0  }
0x1d: {  	[tilespmem:$0xA090] =	vst v0  }
0x1e: {  	[tilespmem:$0xA0A0] =	vst v0  }
0x1f: {  	[tilespmem:$0xA0B0] =	vst v0  }
0x20: {  	[tilespmem:$0xA0C0] =	vst v0  }
0x21: {  	[tilespmem:$0xA0D0] =	vst v0  }
0x22: {  	[tilespmem:$0xA0E0] =	vst v0  }
0x23: {  	[tilespmem:$0xA0F0] =	vst v0  }
0x24: {  	[tilespmem:$0xA100] =	vst v0  }
0x25: {  	[tilespmem:$0xA110] =	vst v0  }
0x26: {  	[tilespmem:$0xA120] =	vst v0  }
0x27: {  	[tilespmem:$0xA130] =	vst v0  }
0x28: {  	[tilespmem:$0xA140] =	vst v0  }
0x29: {  	[tilespmem:$0xA150] =	vst v0  }
0x2a: {  	[tilespmem:$0xA160] =	vst v0  }
0x2b: {  	[tilespmem:$0xA170] =	vst v0  }
0x2c: {  	[tilespmem:$0xA180] =	vst v0  }
0x2d: {  	[tilespmem:$0xA190] =	vst v0  }
0x2e: {  	[tilespmem:$0xA1A0] =	vst v0  }
0x2f: {  	[tilespmem:$0xA1B0] =	vst v0  }
0x30: {  	[tilespmem:$0xA1C0] =	vst v0  }
0x31: {  	[tilespmem:$0xA1D0] =	vst v0  }
0x32: {  	[tilespmem:$0xA1E0] =	vst v0  }
0x33: {  	[tilespmem:$0xA1F0] =	vst v0  }
0x34: {  	[tilespmem:$0xA200] =	vst v0  }
0x35: {  	[tilespmem:$0xA210] =	vst v0  }
0x36: {  	[tilespmem:$0xA220] =	vst v0  }
0x37: {  	[tilespmem:$0xA230] =	vst v0  }
0x38: {  	[tilespmem:$0xA240] =	vst v0  }
0x39: {  	[tilespmem:$0xA250] =	vst v0  }
0x3a: {  	[tilespmem:$0xA260] =	vst v0  }
0x3b: {  	[tilespmem:$0xA270] =	vst v0  }
0x3c: {  	[spmem:s7] =	stream.linear.scatter [tilespmem:s16], [sflag:$0x3], $0x280, $0x38;
	[tilespmem:$0xAC80] =	vst v63  }
0x3d: {  	_ =	swait.ge [sflag:s17], $0x280  }
0x3e: {  	[sflag:s17] =	ssyncset.done $0x0  }
0x3f: {  	[sflag:s17] =	ssyncadd.s32 $0xFFFFFD80  }
0x40: {  	[spmem:s8] =	stream.linear.scatter [tilespmem:s16], [sflag:$0x3], $0x280, $0x38;
	[tilespmem:$0xAC80] =	vst v63  }
0x41: {  	_ =	swait.ge [sflag:s17], $0x280  }
0x42: {  	[sflag:s17] =	ssyncset.done $0x0  }
0x43: {  	[sflag:s17] =	ssyncadd.s32 $0xFFFFFD80  }
0x44: {  	[spmem:s19], [sflag:s18] =	dma.local [hbm:s9], $0x50  }
0x45: {  	_ =	swait.ge [sflag:s17], $0x50  }
0x46: {  	[sflag:s17] =	ssyncset.done $0x0  }
0x47: {  	[sflag:s17] =	ssyncadd.s32 $0xFFFFFFB0  }
0x48: {  	[spmem:s20], [sflag:s18] =	dma.local [hbm:s10], $0x50  }
0x49: {  	_ =	swait.ge [sflag:s17], $0x50  }
0x4a: {  	[sflag:s17] =	ssyncset.done $0x0  }
0x4b: {  	[sflag:s17] =	ssyncadd.s32 $0xFFFFFFB0  }
0x4c: {  	[tilespmem:s6], [sflag:$0x3] =	stream.linear.gather [hbm4b:s11+s6], $0x2800, $0x38;
	[tilespmem:$0xAC80] =	vst v63  }
0x4d: {  	_ =	swait.ge [sflag:s17], $0x2800  }
0x4e: {  	[sflag:s17] =	ssyncset.done $0x0  }
0x4f: {  	[sflag:s17] =	ssyncadd.s32 $0xFFFFD800  }
0x50: {  	[tilespmem:s21], [sflag:$0x3] =	stream.linear.gather [hbm4b:s12+s6], $0x2800, $0x38;
	[tilespmem:$0xAC80] =	vst v63  }
0x51: {  	_ =	swait.ge [sflag:s17], $0x2800  }
0x52: {  	[sflag:s17] =	ssyncset.done $0x0  }
0x53: {  	[sflag:s17] =	ssyncadd.s32 $0xFFFFD800  }
0x54: {  	s28 =	simm.s32 $0x0;
	s26 =	simm.s32 $0x5000;
	[bflag:$0x0] =	sbarrier.arrive $0xFFFF  }
0x55: {  	[tilespmem:s26], [sflag:$0x1] =	stream.indirect.gather [spmem:s4], $0x1, s28, s22, $0xb8;
	[tilespmem:$0xAC80] =	vst v63  }
0x56: {  	s29 =	simm.s32 $0x7800;
	s26 =	simm.s32 $0x200  }
.LBB2_2:
0x57: {  	[tilespmem:s29], [sflag:$0x1] =	stream.indirect.gather [spmem:s5], $0x1, s28, s22, $0xb8;
	[tilespmem:$0xAC80] =	vst v63  }
0x58: {  	s28 =	smov.u32 s26;
	p0 =	sne.s32 s26, $0x9E00  }
.Ltmp0:
0x59: {  	s26 =	sadd.s32 $0x200, s26;
	(pc) =	sbr.rel @p0 .LBB2_2-.Ltmp0, $4  }
0x5a: {  	s28 =	sshra.s32 s28, $0x2  }
0x5b: {  	s29 =	sadd.s32 $0x5000, s28  }
0x5c: {  	[tilespmem:s29], [sflag:$0x1] =	stream.indirect.gather [spmem:s4], $0x1, s28, s22, $0xb8;
	[tilespmem:$0xAC80] =	vst v63  }
0x5d: {  	s29 =	sadd.s32 $0x7800, s28  }
0x5e: {  	[tilespmem:s29], [sflag:$0x1] =	stream.indirect.gather [spmem:s5], $0x1, s28, s22, $0xb8;
	[tilespmem:$0xAC80] =	vst v63  }
0x5f: {  	_ =	swait.ge [sflag:s23], $0x80  }
0x60: {  	[sflag:s23] =	ssyncset.done $0x0  }
0x61: {  	[sflag:s23] =	ssyncadd.s32 $0xFFFFFF80  }
0x62: {  	_ =	swait.ge [sflag:s23], $0x80  }
0x63: {  	[sflag:s23] =	ssyncset.done $0x0  }
0x64: {  	s26 =	simm.s32 $0x5000;
	s28 =	simm.s32 $0x2800;
	[sflag:s23] =	ssyncadd.s32 $0xFFFFFF80  }
0x65: {  	[spmem:s1] =	stream.indirect.scatter.add.f32 [tilespmem:s26], [sflag:$0x2], $0x1, s28, s22, $0xb8;
	[tilespmem:$0xAC80] =	vst v63  }
0x66: {  	s29 =	simm.s32 $0x7800;
	s26 =	simm.s32 $0x200  }
.LBB2_4:
0x67: {  	[spmem:s2] =	stream.indirect.scatter.add.f32 [tilespmem:s29], [sflag:$0x2], $0x1, s28, s22, $0xb8;
	[tilespmem:$0xAC80] =	vst v63  }
0x68: {  	s28 =	smov.u32 s26  }
0x69: {  	p0 =	sne.s32 s26, $0x9E00;
	s26 =	sadd.s32 $0x200, s26;
	_ =	swait.ge [sflag:s23], $0x80  }
0x6a: {  	[sflag:s23] =	ssyncset.done $0x0  }
0x6b: {  	[sflag:s23] =	ssyncadd.s32 $0xFFFFFF80  }
.Ltmp1:
0x6c: {  	_ =	swait.ge [sflag:s23], $0x80;
	(pc) =	sbr.rel @p0 .LBB2_4-.Ltmp1, $4  }
0x6d: {  	s29 =	sshra.s32 s28, $0x2;
	[sflag:s23] =	ssyncset.done $0x0  }
0x6e: {  	s30 =	sadd.s32 $0x5000, s29;
	s28 =	sadd.s32 $0x2800, s29;
	[sflag:s23] =	ssyncadd.s32 $0xFFFFFF80  }
0x6f: {  	[spmem:s1] =	stream.indirect.scatter.add.f32 [tilespmem:s30], [sflag:$0x2], $0x1, s28, s22, $0xb8;
	[tilespmem:$0xAC80] =	vst v63  }
0x70: {  	s29 =	sadd.s32 $0x7800, s29  }
0x71: {  	[spmem:s2] =	stream.indirect.scatter.add.f32 [tilespmem:s29], [sflag:$0x2], $0x1, s28, s22, $0xb8;
	[tilespmem:$0xAC80] =	vst v63  }
0x72: {  	_ =	swait.ge [sflag:s24], $0x80  }
0x73: {  	[sflag:s24] =	ssyncset.done $0x0  }
0x74: {  	[sflag:s24] =	ssyncadd.s32 $0xFFFFFF80  }
0x75: {  	_ =	swait.ge [sflag:s24], $0x80  }
0x76: {  	s26 =	simm.s32 $0x4F;
	[sflag:s24] =	ssyncset.done $0x0  }
.LBB2_6:
0x77: {  	p0 =	sne.s32 s26, $0x1;
	s26 =	sadd.s32 $0xFFFFFFFF, s26;
	[sflag:s24] =	ssyncadd.s32 $0xFFFFFF80  }
.Ltmp2:
0x78: {  	_ =	swait.ge [sflag:s24], $0x80;
	(pc) =	sbr.rel @p0 .LBB2_6-.Ltmp2, $4  }
0x79: {  	[sflag:s24] =	ssyncset.done $0x0  }
0x7a: {  	[sflag:s24] =	ssyncadd.s32 $0xFFFFFF80  }
0x7b: {  	_ =	swait.ge [sflag:s24], $0x80  }
0x7c: {  	[sflag:s24] =	ssyncset.done $0x0  }
0x7d: {  	[sflag:s24] =	ssyncadd.s32 $0xFFFFFF80  }
0x7e: {  	s26 =	sshrl.u32 s7, $0x3;
	[bflag:$0x0] =	sbarrier.arrive $0xFFFF  }
0x7f: {  	[hbm:s13], [sflag:s18] =	dma.local [spmem:s26], $0x50  }
0x80: {  	s25 =	sadd.s32 $0x1, s25;
	_ =	swait.ge [sflag:s17], $0x50  }
0x81: {  	p0 =	sne.s32 s25, s15;
	[sflag:s17] =	ssyncset.done $0x0  }
.Ltmp3:
0x82: {  	s31 =	sshrl.u32 s8, $0x3;
	[sflag:s17] =	ssyncadd.s32 $0xFFFFFFB0;
	(pc) =	sbr.rel @p0 .LBB2_1-.Ltmp3, $4  }
0x83: {  	[hbm:s14], [sflag:s18] =	dma.local [spmem:s31], $0x50  }
0x84: {  	_ =	swait.ge [sflag:s17], $0x50  }
0x85: {  	[sflag:s17] =	ssyncset.done $0x0  }
0x86: {  	[sflag:s17] =	ssyncadd.s32 $0xFFFFFFB0  }
0x87: {  	_ =	sfence.sel $0x180000  }
0x88: {  	[bflag:$0x0] =	sbarrier.arrive $0xFFFF  }
0x89: {  	p0 =	sne.s32 s0, $0x0;
	_ =	strace $0x9000004A  }
0x8a: {  	s0 =	sadd.s32 @!p0 $0x100000, s3;
	[bflag:$0x2] =	sbarrier.arrive $0xFFFF  }
0x8b: {  	[sflag:s0] =	ssyncadd.tile.s32 @!p0 $0x1;
	_ =	shalt  }
.Lfunc_end2:
_tile_overlayer_lowered:
.L_overlay_start_2:
0x8c: {  	(tag) =	ssettag $0x2  }
0x8d: {  	s0 =	rddreg [dreg:$0x0];
	s2 =	stileid.u32  }
0x8e: {  	s1 =	rddreg [dreg:$0x1];
	p0 =	sne.s32 s2, $0x0  }
0x8f: {  	s3 =	rddreg [dreg:$0x2];
	[bflag:$0x3] =	sbarrier.arrive $0xFFFF;
	s2 =	simm.s32 @!p0 $0x1C03  }
0x90: {  	[timem:s3], [sflag:s2] =	dma.local @!p0 [hbm:s0], s1  }
0x91: {  	s0 =	simm.s32 @!p0 $0x3  }
0x92: {  	_ =	swait.ge @!p0 [sflag:s0], s1  }
0x93: {  	s1 =	ssub.s32 @!p0 $0x0, s1;
	[sflag:s0] =	ssyncset.done @!p0 $0x0  }
0x94: {  	[sflag:s0] =	ssyncadd.s32 @!p0 s1  }
0x95: {  	[bflag:$0x3] =	sbarrier.arrive $0xFFFF  }
0x96: {  	_ =	shalt  }

// kernel: kernel.7.cloned.1.call-start
scs
__scs_entry_jumppad:
0x0: {  	(pc) =	sbr.rel $0x88, $3  }
0x1: {  	(tag) =	ssettag $0x0;
	lr =	simm.s32 $0x1  }
0x2: {  	[smem:$0x3F97] =	sst lr;
	_ =	strace $0xD0000000  }
0x3: {  	_ = 	snop  }
0x4: {  	_ = 	snop  }
0x5: {  	_ = 	snop  }
0x6: {  	_ = 	snop  }
0x7: {  	_ = 	snop  }
__scs_overlays_trampoline_lowered:
0x8: {  	[smem:$0x3FA6] =	sst s0  }
0x9: {  	[smem:$0x3FA7] =	sst s1  }
0xa: {  	[smem:$0x3FA8] =	sst s2  }
0xb: {  	[smem:$0x3FA9] =	sst s3  }
0xc: {  	[smem:$0x3FAA] =	sst s4  }
0xd: {  	[smem:$0x3FAB] =	sst s5  }
0xe: {  	[smem:$0x3FAC] =	sst s6  }
0xf: {  	[smem:$0x3FAD] =	sst s7  }
0x10: {  	[smem:$0x3FAE] =	sst s8  }
0x11: {  	[smem:$0x3FAF] =	sst s9;
	s0 =	simm.s32 @!p0 $0x0  }
0x12: {  	s1 =	sld [smem:$0x3F95];
	s0 =	simm.s32 @p0 $0x1  }
0x13: {  	[smem:$0x3FB0] =	sst s0;
	s0 =	simm.s32 @!p1 $0x0  }
0x14: {  	s2 =	sld [smem:$0x3F94];
	s0 =	simm.s32 @p1 $0x1  }
0x15: {  	[smem:$0x3FB1] =	sst s0;
	s0 =	simm.s32 @!p2 $0x0  }
0x16: {  	s3 =	sld [smem:$0x3FDB];
	s0 =	simm.s32 @p2 $0x1  }
0x17: {  	s4 =	simm.s32 $0x1BF5;
	[smem:$0x3FB3] =	sst s0  }
0x18: {  	s0 =	sld [smem:$0x3F96];
	_ =	swait.ge [sflag:s4], $0x0  }
0x19: {  	s7 =	sld [smem:$0x3F97]  }
0x1a: {  	s8 =	sadd.s32 $0xFFFFE003, lr  }
0x1b: {  	s9 =	sadd.s32 $0xFFFFFEF7, lr;
	s5 =	simm.s32 $0xFFFFFFFF;
	p2 =	slt.u32 s8, $0xFFFFF086  }
0x1c: {  	p1 =	slt.u32 s9, $0xF7A;
	s5 =	simm.s32 @!p2 $0x0  }
0x1d: {  	s5 =	simm.s32 @p1 $0x1;
	p0 =	seq.s32 s7, s2  }
0x1e: {  	s7 =	smul.u32 @!p0 $0xF7A, s2;
	p2 =	seq.s32 @!p0 s5, $0x0  }
0x1f: {  	s9 =	smul.u32 $0xF7A, s1;
	s8 =	simm.s32 @!p0 $0x1BF5;
	p2 =	por !p2, p0  }
0x20: {  	[sflag:s8] =	ssyncset.s32 @!p0 $0xFFFFF086;
	s6 =	sadd.s32 @!p0 s3, s7;
	s7 =	simm.s32 @!p0 $0x108  }
0x21: {  	s3 =	sadd.s32 s3, s9;
	s6 =	sadd.s32 @!p0 $0x88, s6;
	s7 =	simm.s32 @p2 $0x1082  }
0x22: {  	[simem:s7], [sflag:s8] =	dma.local @!p0 [hbm:s6], $0xF7A  }
0x23: {  	s9 =	sor.u32 $0xD0000000, s2;
	s6 =	simm.s32 $0x108;
	_ =	swait.ge @!p0 [sflag:s8], $0x0  }
0x24: {  	s3 =	sadd.s32 $0x88, s3;
	s6 =	simm.s32 @!p1 $0x1082;
	[sflag:s4] =	ssyncset.s32 $0xFFFFF086  }
0x25: {  	[simem:s6], [sflag:s4] =	dma.local [hbm:s3], $0xF7A  }
0x26: {  	[smem:$0x3F97] =	sst s1;
	(tag) =	ssettag s2;
	_ =	strace s9  }
0x27: {  	s1 =	sld [smem:$0x3FA7]  }
0x28: {  	s2 =	sld [smem:$0x3FA8]  }
0x29: {  	s4 =	sld [smem:$0x3FAA]  }
0x2a: {  	p0 =	seq.s32 s5, $0x0;
	s5 =	sld [smem:$0x3FAB]  }
0x2b: {  	s6 =	sld [smem:$0x3FAC]  }
0x2c: {  	s7 =	sld [smem:$0x3FAD]  }
0x2d: {  	s3 =	simm.s32 $0x108;
	s8 =	sld [smem:$0x3FAE]  }
0x2e: {  	s3 =	simm.s32 @!p0 $0x1082;
	s9 =	sld [smem:$0x3FAF]  }
0x2f: {  	lr =	sadd.s32 s0, s3;
	s0 =	sld [smem:$0x3FA6]  }
0x30: {  	s3 =	sld [smem:$0x3FA9]  }
0x31: {  	[smem:$0x3FB2] =	sst s10  }
0x32: {  	s10 =	sld [smem:$0x3FB0];
	_ =	sdelay $0x3  }
0x33: {  	p0 =	seq.s32 s10, $0x1;
	s10 =	sld [smem:$0x3FB2];
	_ =	sdelay $0x3  }
0x34: {  	[smem:$0x3FB2] =	sst s10  }
0x35: {  	s10 =	sld [smem:$0x3FB1];
	_ =	sdelay $0x3  }
0x36: {  	p1 =	seq.s32 s10, $0x1;
	s10 =	sld [smem:$0x3FB2];
	_ =	sdelay $0x3  }
0x37: {  	[smem:$0x3FB2] =	sst s10  }
0x38: {  	s10 =	sld [smem:$0x3FB3]  }
0x39: {  	_ = 	snop;
	(pc) =	sbr.ind lr, $3  }
0x3a: {  	_ = 	snop  }
0x3b: {  	_ = 	snop  }
0x3c: {  	p2 =	seq.s32 s10, $0x1;
	s10 =	sld [smem:$0x3FB2]  }
0x3d: {  	_ =	shalt  }
0x3e: {  	_ =	shalt  }
0x3f: {  	_ =	shalt  }
0x40: {  	_ =	shalt  }
0x41: {  	_ =	shalt  }
0x42: {  	_ =	shalt  }
0x43: {  	_ =	shalt  }
0x44: {  	_ =	shalt  }
0x45: {  	_ =	shalt  }
0x46: {  	_ =	shalt  }
0x47: {  	_ =	shalt  }
0x48: {  	_ =	shalt  }
0x49: {  	_ =	shalt  }
0x4a: {  	_ =	shalt  }
0x4b: {  	_ =	shalt  }
0x4c: {  	_ =	shalt  }
0x4d: {  	_ =	shalt  }
0x4e: {  	_ =	shalt  }
0x4f: {  	_ =	shalt  }
0x50: {  	_ =	shalt  }
0x51: {  	_ =	shalt  }
0x52: {  	_ =	shalt  }
0x53: {  	_ =	shalt  }
0x54: {  	_ =	shalt  }
0x55: {  	_ =	shalt  }
0x56: {  	_ =	shalt  }
0x57: {  	_ =	shalt  }
0x58: {  	_ =	shalt  }
0x59: {  	_ =	shalt  }
0x5a: {  	_ =	shalt  }
0x5b: {  	_ =	shalt  }
0x5c: {  	_ =	shalt  }
0x5d: {  	_ =	shalt  }
0x5e: {  	_ =	shalt  }
0x5f: {  	_ =	shalt  }
0x60: {  	_ =	shalt  }
0x61: {  	_ =	shalt  }
0x62: {  	_ =	shalt  }
0x63: {  	_ =	shalt  }
0x64: {  	_ =	shalt  }
0x65: {  	_ =	shalt  }
0x66: {  	_ =	shalt  }
0x67: {  	_ =	shalt  }
0x68: {  	_ =	shalt  }
0x69: {  	_ =	shalt  }
0x6a: {  	_ =	shalt  }
0x6b: {  	_ =	shalt  }
0x6c: {  	_ =	shalt  }
0x6d: {  	_ =	shalt  }
0x6e: {  	_ =	shalt  }
0x6f: {  	_ =	shalt  }
0x70: {  	_ =	shalt  }
0x71: {  	_ =	shalt  }
0x72: {  	_ =	shalt  }
0x73: {  	_ =	shalt  }
0x74: {  	_ =	shalt  }
0x75: {  	_ =	shalt  }
0x76: {  	_ =	shalt  }
0x77: {  	_ =	shalt  }
0x78: {  	_ =	shalt  }
0x79: {  	_ =	shalt  }
0x7a: {  	_ =	shalt  }
0x7b: {  	_ =	shalt  }
0x7c: {  	_ =	shalt  }
0x7d: {  	_ =	shalt  }
0x7e: {  	_ =	shalt  }
0x7f: {  	_ =	shalt  }
0x80: {  	_ =	shalt  }
0x81: {  	_ =	shalt  }
0x82: {  	_ =	shalt  }
0x83: {  	_ =	shalt  }
0x84: {  	_ =	shalt  }
0x85: {  	_ =	shalt  }
0x86: {  	_ =	shalt  }
0x87: {  	_ =	shalt  }
.Lfunc_end0:
.L_simem_size_0:
called_computation_lowered:
.L_overlay_start_0:
0x88: {  	s2 =	sld [smem:$0x3FD9]  }
0x89: {  	s3 =	sld [smem:$0x3FFE];
	_ =	sdelay $0x1  }
0x8a: {  	s1 =	srdreg.scid  }
0x8b: {  	s0 =	sand.u32 $0x1, s1  }
0x8c: {  	s16 =	sshll.u32 s0, $0xA;
	s2 =	sadd.s32 s3, s2  }
0x8d: {  	s2 =	sadd.s32 s2, s16  }
0x8e: {  	[smem:$0x3FBE] =	sst s2  }
0x8f: {  	_ = 	snop  }
0x90: {  	(tm) =	ssettm $0x1  }
0x91: {  	s17 =	sld [smem:$0x3FFB];
	_ =	sdelay $0x3  }
0x92: {  	_ =	strace s17  }
0x93: {  	s2 =	sld [smem:$0x3FFC];
	_ =	sdelay $0x3  }
0x94: {  	_ =	strace s2  }
0x95: {  	s2 =	sld [smem:$0x3FFD];
	_ =	sdelay $0x3  }
0x96: {  	_ =	strace s2  }
0x97: {  	_ =	strace $0x8FFFFFFF  }
0x98: {  	s18 =	sld [smem:$0x3FDB];
	_ =	sdelay $0x1  }
0x99: {  	s19 =	simm.s32 $_scs_section_size  }
0x9a: {  	s4 =	simm.s32 $_size__tile_overlayer_lowered;
	s5 =	simm.s32 $_tile_overlayer_lowered  }
0x9b: {  	s22 =	simm.s32 $0x1BFF;
	s21 =	sshll.u32 s5, $0x1;
	s2 =	sadd.s32 s19, s18  }
0x9c: {  	s6 =	simm.s32 $0x0;
	s20 =	sshll.u32 s4, $0x1;
	s4 =	sadd.s32 s21, s2  }
0x9d: {  	[timem:s6], [sflag:s22] =	dma.local [hbm:s4], s20  }
0x9e: {  	_ =	swait.ge [sflag:s22], s20  }
0x9f: {  	s3 =	ssub.s32 $0x0, s20;
	[sflag:s22] =	ssyncset.done $0x0  }
0xa0: {  	[sflag:s22] =	ssyncadd.s32 s3;
	_ =	sdelay $0x1  }
0xa1: {  	s23 =	simm.s32 $0x1B8B  }
0xa2: {  	_ =	swait.ge [sflag:s23], $0x1  }
0xa3: {  	[sflag:s23] =	ssyncset.done $0x0  }
0xa4: {  	s25 =	simm.s32 $0x1B8E;
	s24 =	sld [smem:$0x3FFE];
	[sflag:s23] =	ssyncadd.s32 $0xFFFFFFFF  }
0xa5: {  	s26 =	simm.s32 $execute0_lowered;
	[smem:$0x3FD2] =	sst s25  }
0xa6: {  	s4 =	sshll.u32 s26, $0x1;
	_ =	strace $0x80000046;
	[dreg:$0x1] =	wrdreg $0xFFFFFFFF  }
0xa7: {  	s28 =	simm.s32 $_size_execute0_lowered;
	s2 =	sadd.s32 s2, s4;
	[dreg:$0x0] =	wrdreg $0x0  }
0xa8: {  	s4 =	sshll.u32 s28, $0x1;
	[dreg:$0x2] =	wrdreg s2  }
0xa9: {  	[dreg:$0x3] =	wrdreg s4  }
0xaa: {  	[dreg:$0x4] =	wrdreg $0xC0  }
0xab: {  	_ =	task [dreg:s6], $0x5FFFF  }
0xac: {  	[dreg:$0x1] =	wrdreg $0xFFFFFFFF  }
0xad: {  	[dreg:$0x0] =	wrdreg $0x60  }
0xae: {  	[dreg:$0x2] =	wrdreg s24  }
0xaf: {  	[dreg:$0x3] =	wrdreg $0x53000  }
0xb0: {  	[dreg:$0x4] =	wrdreg $0x55800  }
0xb1: {  	[dreg:$0x5] =	wrdreg $0x9  }
0xb2: {  	_ =	task.clear_ibuf [dreg:s6], $0x6FFFF;
	_ =	strace $0x90000046  }
0xb3: {  	s29 =	simm.s32 $0x9;
	_ =	strace $0x80000048  }
0xb4: {  	_ =	swait.ge [sflag:s29], $0x1  }
0xb5: {  	[sflag:s29] =	ssyncadd.s32 $0xFFFFFFFF  }
0xb6: {  	_ =	strace $0x90000048  }
0xb7: {  	_ =	sfence  }
0xb8: {  	s30 =	sld [smem:$0x0];
	_ =	sdelay $0x2  }
0xb9: {  	s31 =	sshll.u32 s1, $0xD;
	s1 =	sshrl.u32 s1, $0x2  }
0xba: {  	s3 =	sand.u32 $0x4000, s31;
	s1 =	sadd.s32 s1, s30  }
0xbb: {  	s0 =	sor.u32 s3, s0;
	s1 =	sshll.u32 s1, $0x11  }
0xbc: {  	s0 =	sor.u32 s1, s0  }
0xbd: {  	s0 =	sadd.s32 $0x8F2B, s0  }
0xbe: {  	[sflag:s0] =	ssyncadd.remote.s32 $0x1  }
0xbf: {  	_ =	sfence.sel $0xFFFF  }
0xc0: {  	[dreg:$0x0] =	wrdreg $0xFFFFFFFF;
	(pc) =	sbr.abs _section_cstart, $3  }
0xc1: {  	[dreg:$0x1] =	wrdreg $0xFFFFFFFF  }
0xc2: {  	_ =	task.clear_ibuf [dreg:s6], $0x2FFFF;
	_ =	strace $0x9FFFFFFF  }
0xc3: {  	(tm) =	ssettm $0x7FFFFFFF  }
tec
execute0_lowered:
.L_overlay_start_1:
0x0: {  	(tag) =	ssettag $0x1  }
0x1: {  	s5 =	rddreg [dreg:$0x0]  }
0x2: {  	s1 =	srdreg.scid;
	s2 =	rddreg [dreg:$0x1]  }
0x3: {  	s0 =	stileid.u32;
	s3 =	rddreg [dreg:$0x2];
	s4 =	simm.s32 $0x0  }
0x4: {  	s12 =	simm.s32 $0x5080;
	s13 =	simm.s32 $0x2;
	s14 =	simm.s32 $0x2800  }
0x5: {  	s15 =	simm.s32 $0x80;
	s16 =	simm.s32 $0x5000;
	s17 =	simm.s32 $0x1  }
0x6: {  	s20 =	simm.s32 $0x0;
	s6 =	sand.u32 $0x1, s1;
	s1 =	rddreg [dreg:$0x3]  }
0x7: {  	s7 =	smul.u32 $0x280, s0;
	[smem:$0x7FF] =	sst s4;
	s18 =	sshll.u32 s0, $0x6  }
0x8: {  	s8 =	sshll.u32 s6, $0x4;
	s9 =	smul.u32 $0x5000, s6;
	_ =	strace $0x80000047  }
0x9: {  	s6 =	ssub.s32 $0x2, s6;
	s18 =	sor.u32 $0x1C02, s18;
	s8 =	sor.u32 s0, s8  }
0xa: {  	s31 =	sshrl.u32 s6, $0x1;
	s8 =	smul.u32 $0x500, s8;
	s9 =	sadd.s32 s7, s9  }
0xb: {  	s11 =	ssub.s32 s6, s31;
	s6 =	sadd.s32 s7, s3;
	s9 =	sshrl.u32 s9, $0x3  }
0xc: {  	s11 =	smax.u32 s11, $0x1;
	s8 =	sadd.s32 s8, s5;
	s10 =	sadd.s32 s9, s5  }
0xd: {  	s5 =	sadd.s32 s7, s2;
	s7 =	sadd.s32 $0xBC00, s8;
	s8 =	sadd.s32 $0x1C00, s8  }
0xe: {  	v0 =	vimm.f32 $1.000000000e+00;
	v1 =	vimm.f32 $0.0e+00;
	s9 =	sadd.s32 $0x15C00, s10;
	s10 =	sadd.s32 $0x16100, s10;
	s19 =	sshrl.u32 s5, $0x3  }
.LBB2_1:
0xf: {  	[tilespmem:$0x5000] =	vst v0  }
0x10: {  	[tilespmem:$0x5010] =	vst v0  }
0x11: {  	[tilespmem:$0x5020] =	vst v0  }
0x12: {  	[tilespmem:$0x5030] =	vst v0  }
0x13: {  	[tilespmem:$0x5040] =	vst v0  }
0x14: {  	[tilespmem:$0x5050] =	vst v0  }
0x15: {  	[tilespmem:$0x5060] =	vst v0  }
0x16: {  	[tilespmem:$0x5070] =	vst v0  }
0x17: {  	[tilespmem:$0x5080] =	vst v1  }
0x18: {  	[tilespmem:$0x5090] =	vst v1  }
0x19: {  	[tilespmem:$0x50A0] =	vst v1  }
0x1a: {  	[tilespmem:$0x50B0] =	vst v1  }
0x1b: {  	[tilespmem:$0x50C0] =	vst v1  }
0x1c: {  	[tilespmem:$0x50D0] =	vst v1  }
0x1d: {  	[tilespmem:$0x50E0] =	vst v1  }
0x1e: {  	[tilespmem:$0x50F0] =	vst v1  }
0x1f: {  	[tilespmem:$0x5100] =	vst v1  }
0x20: {  	[tilespmem:$0x5110] =	vst v1  }
0x21: {  	[tilespmem:$0x5120] =	vst v1  }
0x22: {  	[tilespmem:$0x5130] =	vst v1  }
0x23: {  	[tilespmem:$0x5140] =	vst v1  }
0x24: {  	[tilespmem:$0x5150] =	vst v1  }
0x25: {  	[tilespmem:$0x5160] =	vst v1  }
0x26: {  	[tilespmem:$0x5170] =	vst v1  }
0x27: {  	[tilespmem:$0x5180] =	vst v1  }
0x28: {  	[tilespmem:$0x5190] =	vst v1  }
0x29: {  	[tilespmem:$0x51A0] =	vst v1  }
0x2a: {  	[tilespmem:$0x51B0] =	vst v1  }
0x2b: {  	[tilespmem:$0x51C0] =	vst v1  }
0x2c: {  	[tilespmem:$0x51D0] =	vst v1  }
0x2d: {  	[tilespmem:$0x51E0] =	vst v1  }
0x2e: {  	[tilespmem:$0x51F0] =	vst v1  }
0x2f: {  	[tilespmem:$0x5200] =	vst v1  }
0x30: {  	[tilespmem:$0x5210] =	vst v1  }
0x31: {  	[tilespmem:$0x5220] =	vst v1  }
0x32: {  	[tilespmem:$0x5230] =	vst v1  }
0x33: {  	[tilespmem:$0x5240] =	vst v1  }
0x34: {  	[tilespmem:$0x5250] =	vst v1  }
0x35: {  	[tilespmem:$0x5260] =	vst v1  }
0x36: {  	[tilespmem:$0x5270] =	vst v1  }
0x37: {  	[tilespmem:$0x5280] =	vst v1  }
0x38: {  	[tilespmem:$0x5290] =	vst v1  }
0x39: {  	[tilespmem:$0x52A0] =	vst v1  }
0x3a: {  	[tilespmem:$0x52B0] =	vst v1  }
0x3b: {  	[tilespmem:$0x52C0] =	vst v1  }
0x3c: {  	[tilespmem:$0x52D0] =	vst v1  }
0x3d: {  	[tilespmem:$0x52E0] =	vst v1  }
0x3e: {  	[tilespmem:$0x52F0] =	vst v1  }
0x3f: {  	[spmem:s5] =	stream.linear.scatter [tilespmem:s12], [sflag:$0x2], $0x280, $0x38;
	[tilespmem:$0x5800] =	vst v63  }
0x40: {  	_ =	swait.ge [sflag:s13], $0x280  }
0x41: {  	[sflag:s13] =	ssyncset.done $0x0  }
0x42: {  	[sflag:s13] =	ssyncadd.s32 $0xFFFFFD80  }
0x43: {  	[spmem:s6] =	stream.linear.scatter [tilespmem:s12], [sflag:$0x2], $0x280, $0x38;
	[tilespmem:$0x5800] =	vst v63  }
0x44: {  	_ =	swait.ge [sflag:s13], $0x280  }
0x45: {  	[sflag:s13] =	ssyncset.done $0x0  }
0x46: {  	[sflag:s13] =	ssyncadd.s32 $0xFFFFFD80  }
0x47: {  	[tilespmem:s4], [sflag:$0x2] =	stream.linear.gather [hbm4b:s7+s4], $0x2800, $0x38;
	[tilespmem:$0x5800] =	vst v63  }
0x48: {  	_ =	swait.ge [sflag:s13], $0x2800  }
0x49: {  	[sflag:s13] =	ssyncset.done $0x0  }
0x4a: {  	[sflag:s13] =	ssyncadd.s32 $0xFFFFD800  }
0x4b: {  	[tilespmem:s14], [sflag:$0x2] =	stream.linear.gather [hbm4b:s8+s4], $0x2800, $0x38;
	[tilespmem:$0x5800] =	vst v63  }
0x4c: {  	_ =	swait.ge [sflag:s13], $0x2800  }
0x4d: {  	[sflag:s13] =	ssyncset.done $0x0  }
0x4e: {  	[sflag:s13] =	ssyncadd.s32 $0xFFFFD800  }
0x4f: {  	s21 =	simm.s32 $0x0;
	[bflag:$0x0] =	sbarrier.arrive $0xFFFF  }
0x50: {  	[spmem:s2] =	stream.indirect.scatter.add.f32 [tilespmem:s16], [sflag:$0x1], $0x1, s21, s15, $0xb8;
	[tilespmem:$0x5800] =	vst v63  }
0x51: {  	s22 =	simm.s32 $0x2800;
	s21 =	simm.s32 $0x200  }
.LBB2_2:
0x52: {  	[spmem:s3] =	stream.indirect.scatter.add.f32 [tilespmem:s16], [sflag:$0x1], $0x1, s22, s15, $0xb8;
	[tilespmem:$0x5800] =	vst v63  }
0x53: {  	s22 =	smov.u32 s21;
	p0 =	sne.s32 s21, $0x9E00  }
.Ltmp0:
0x54: {  	s21 =	sadd.s32 $0x200, s21;
	(pc) =	sbr.rel @p0 .LBB2_2-.Ltmp0, $4  }
0x55: {  	_ = 	snop  }
0x56: {  	s22 =	sshra.s32 s22, $0x2  }
0x57: {  	[spmem:s2] =	stream.indirect.scatter.add.f32 [tilespmem:s16], [sflag:$0x1], $0x1, s22, s15, $0xb8;
	[tilespmem:$0x5800] =	vst v63  }
0x58: {  	s22 =	sadd.s32 $0x2800, s22  }
0x59: {  	[spmem:s3] =	stream.indirect.scatter.add.f32 [tilespmem:s16], [sflag:$0x1], $0x1, s22, s15, $0xb8;
	[tilespmem:$0x5800] =	vst v63  }
0x5a: {  	_ =	swait.ge [sflag:s17], $0x80  }
0x5b: {  	[sflag:s17] =	ssyncset.done $0x0  }
0x5c: {  	[sflag:s17] =	ssyncadd.s32 $0xFFFFFF80  }
0x5d: {  	_ =	swait.ge [sflag:s17], $0x80  }
0x5e: {  	s21 =	simm.s32 $0x4F;
	[sflag:s17] =	ssyncset.done $0x0  }
.LBB2_4:
0x5f: {  	p0 =	sne.s32 s21, $0x1;
	s21 =	sadd.s32 $0xFFFFFFFF, s21;
	[sflag:s17] =	ssyncadd.s32 $0xFFFFFF80  }
.Ltmp1:
0x60: {  	_ =	swait.ge [sflag:s17], $0x80;
	(pc) =	sbr.rel @p0 .LBB2_4-.Ltmp1, $4  }
0x61: {  	[sflag:s17] =	ssyncset.done $0x0  }
0x62: {  	[sflag:s17] =	ssyncadd.s32 $0xFFFFFF80  }
0x63: {  	_ =	swait.ge [sflag:s17], $0x80  }
0x64: {  	[sflag:s17] =	ssyncset.done $0x0  }
0x65: {  	[sflag:s17] =	ssyncadd.s32 $0xFFFFFF80  }
0x66: {  	[bflag:$0x0] =	sbarrier.arrive $0xFFFF  }
0x67: {  	[hbm:s9], [sflag:s18] =	dma.local [spmem:s19], $0x50  }
0x68: {  	s20 =	sadd.s32 $0x1, s20;
	_ =	swait.ge [sflag:s13], $0x50  }
0x69: {  	p0 =	sne.s32 s20, s11;
	[sflag:s13] =	ssyncset.done $0x0  }
.Ltmp2:
0x6a: {  	s21 =	sshrl.u32 s6, $0x3;
	[sflag:s13] =	ssyncadd.s32 $0xFFFFFFB0;
	(pc) =	sbr.rel @p0 .LBB2_1-.Ltmp2, $4  }
0x6b: {  	[hbm:s10], [sflag:s18] =	dma.local [spmem:s21], $0x50  }
0x6c: {  	_ =	swait.ge [sflag:s13], $0x50  }
0x6d: {  	[sflag:s13] =	ssyncset.done $0x0  }
0x6e: {  	[sflag:s13] =	ssyncadd.s32 $0xFFFFFFB0  }
0x6f: {  	_ =	sfence.sel $0x180000  }
0x70: {  	[bflag:$0x0] =	sbarrier.arrive $0xFFFF  }
0x71: {  	p0 =	sne.s32 s0, $0x0;
	_ =	strace $0x90000047  }
0x72: {  	s0 =	sadd.s32 @!p0 $0x100000, s1;
	[bflag:$0x2] =	sbarrier.arrive $0xFFFF  }
0x73: {  	[sflag:s0] =	ssyncadd.tile.s32 @!p0 $0x1;
	_ =	shalt  }
.Lfunc_end2:
_tile_overlayer_lowered:
.L_overlay_start_2:
0x74: {  	(tag) =	ssettag $0x2  }
0x75: {  	s0 =	rddreg [dreg:$0x0];
	s2 =	stileid.u32  }
0x76: {  	s1 =	rddreg [dreg:$0x1];
	p0 =	sne.s32 s2, $0x0  }
0x77: {  	s3 =	rddreg [dreg:$0x2];
	[bflag:$0x3] =	sbarrier.arrive $0xFFFF;
	s2 =	simm.s32 @!p0 $0x1C02  }
0x78: {  	[timem:s3], [sflag:s2] =	dma.local @!p0 [hbm:s0], s1  }
0x79: {  	s0 =	simm.s32 @!p0 $0x2  }
0x7a: {  	_ =	swait.ge @!p0 [sflag:s0], s1  }
0x7b: {  	s1 =	ssub.s32 @!p0 $0x0, s1;
	[sflag:s0] =	ssyncset.done @!p0 $0x0  }
0x7c: {  	[sflag:s0] =	ssyncadd.s32 @!p0 s1  }
0x7d: {  	[bflag:$0x3] =	sbarrier.arrive $0xFFFF  }
0x7e: {  	_ =	shalt  }

</sc_bundles>
